<compile_context>
chip_gen: v7x
topology: tpu7x:2x2x1
jax: 0.10.2.dev20260603
libtpu: 0.0.44.dev20260713+nightly
codegen_flags: <defaults>
</compile_context>

<pallas_src>
import jax
import jax.numpy as jnp
from jax import lax
from jax.experimental import pallas as pl
from jax.experimental.pallas import tpu as pltpu
from jax.experimental.pallas import tpu_sc as plsc

ROWS, COLS = 4096, 8192
NC, NS, L = 2, 16, 16
NW = NC * NS
ROWS_PER_TILE = ROWS // NW
R = 2
NB = ROWS_PER_TILE // R
NIN = 4
NOUT = 2
UNROLL = 4
NGROUPS = COLS // L


def _gather_batch(idx_v, in_ref, out_ref):
    @plsc.parallel_loop(0, NGROUPS, unroll=UNROLL)
    def g_body(g):
        o = g * L
        idx = idx_v[pl.ds(o, L)]
        for r in range(R):
            row_idx = jnp.full((L,), r, dtype=jnp.int32)
            out_ref[r, pl.ds(o, L)] = plsc.load_gather(in_ref, [row_idx, idx])


def _permute_body(tensor_hbm, perm_hbm, out_hbm, idx_v,
                  in0, in1, in2, in3, out0, out1,
                  si0, si1, si2, si3, so0, so1):
    wid = lax.axis_index("s") * NC + lax.axis_index("c")
    base = wid * ROWS_PER_TILE
    pltpu.sync_copy(perm_hbm, idx_v)

    ins = (in0, in1, in2, in3)
    sins = (si0, si1, si2, si3)
    outs = (out0, out1)
    souts = (so0, so1)

    def start_in(b, s):
        pltpu.make_async_copy(
            tensor_hbm.at[pl.ds(base + b * R, R)], ins[s], sins[s]
        ).start()

    def wait_in(b, s):
        pltpu.make_async_copy(
            tensor_hbm.at[pl.ds(base + b * R, R)], ins[s], sins[s]
        ).wait()

    def start_out(b, s):
        pltpu.make_async_copy(
            outs[s], out_hbm.at[pl.ds(base + b * R, R)], souts[s]
        ).start()

    def wait_out(b, s):
        pltpu.make_async_copy(
            outs[s], out_hbm.at[pl.ds(base + b * R, R)], souts[s]
        ).wait()

    for s in range(NIN):
        start_in(s, s)

    def quad_body(i, c):
        for s in range(NIN):
            b = NIN * i + s
            so = s % NOUT
            wait_in(b, s)
            pl.when(b >= NOUT)(lambda: wait_out(b - NOUT, so))
            _gather_batch(idx_v, ins[s], outs[so])
            start_out(b, so)
            pl.when(b + NIN < NB)(lambda: start_in(b + NIN, s))
        return c

    lax.fori_loop(0, NB // NIN, quad_body, 0, unroll=False)

    wait_out(NB - 2, 0)
    wait_out(NB - 1, 1)


def kernel(tensor, permute):
    perm32 = permute.astype(jnp.int32)
    mesh = plsc.VectorSubcoreMesh(core_axis_name="c", subcore_axis_name="s")
    f = pl.kernel(
        _permute_body,
        out_type=jax.ShapeDtypeStruct((ROWS, COLS), jnp.float32),
        mesh=mesh,
        scratch_types=[
            pltpu.VMEM((COLS,), jnp.int32),
            pltpu.VMEM((R, COLS), jnp.float32),
            pltpu.VMEM((R, COLS), jnp.float32),
            pltpu.VMEM((R, COLS), jnp.float32),
            pltpu.VMEM((R, COLS), jnp.float32),
            pltpu.VMEM((R, COLS), jnp.float32),
            pltpu.VMEM((R, COLS), jnp.float32),
            pltpu.SemaphoreType.DMA,
            pltpu.SemaphoreType.DMA,
            pltpu.SemaphoreType.DMA,
            pltpu.SemaphoreType.DMA,
            pltpu.SemaphoreType.DMA,
            pltpu.SemaphoreType.DMA,
        ],
        compiler_params=pltpu.CompilerParams(needs_layout_passes=False),
    )
    return f(tensor, perm32)

# --- scband reference (transcript-rebuilt; emitter-appended) ---
"""Pipeline reference for scband-permute1-d-43593918055137 (READ-ONLY COPY).

The authoritative reference and input builder live on the scoring server;
editing this copy changes nothing except your own understanding.
"""

import jax, jax.numpy as jnp
import numpy as np


def setup_inputs(seed: int = 0) -> dict:
    key = jax.random.key(seed)
    k1, k2 = jax.random.split(key)
    tensor = jax.random.normal(k1, (4096, 8192), dtype=jnp.float32)
    # fixed random permutation buffer created at module init time
    permute = jax.random.permutation(k2, 8192).astype(jnp.int64)
    return {"tensor": tensor, "permute": permute}


def reference(tensor, permute):
    # tensor[:, self.permute] -> gather along axis 1
    return jnp.take(tensor, permute, axis=1)

if __name__ == "__main__":
    import jax
    _d = setup_inputs()
    print(jax.jit(kernel)(*tuple(_d.values())))

</pallas_src>

<mosaic_0001>
#map = affine_map<(d0, d1) -> (0, 0)>
#map1 = affine_map<(d0, d1) -> (0)>
module attributes {stable_mosaic.version = 14 : i64} {
  func.func @_permute_body(%arg0: i32, %arg1: i32, %arg2: memref<4096x8192xf32, #tpu.memory_space<hbm>>, %arg3: memref<8192xi32, #tpu.memory_space<hbm>>, %arg4: memref<4096x8192xf32, #tpu.memory_space<hbm>>, %arg5: memref<8192xi32, #tpu.memory_space<vmem>>, %arg6: memref<2x8192xf32, #tpu.memory_space<vmem>>, %arg7: memref<2x8192xf32, #tpu.memory_space<vmem>>, %arg8: memref<2x8192xf32, #tpu.memory_space<vmem>>, %arg9: memref<2x8192xf32, #tpu.memory_space<vmem>>, %arg10: memref<2x8192xf32, #tpu.memory_space<vmem>>, %arg11: memref<2x8192xf32, #tpu.memory_space<vmem>>, %arg12: memref<!tpu.dma_semaphore, #tpu.memory_space<semaphore_mem>>, %arg13: memref<!tpu.dma_semaphore, #tpu.memory_space<semaphore_mem>>, %arg14: memref<!tpu.dma_semaphore, #tpu.memory_space<semaphore_mem>>, %arg15: memref<!tpu.dma_semaphore, #tpu.memory_space<semaphore_mem>>, %arg16: memref<!tpu.dma_semaphore, #tpu.memory_space<semaphore_mem>>, %arg17: memref<!tpu.dma_semaphore, #tpu.memory_space<semaphore_mem>>) attributes {dimension_semantics = [#tpu.dimension_semantics<core_parallel>, #tpu.dimension_semantics<subcore_parallel>], iteration_bounds = array<i64: 2, 16>, scalar_prefetch = 0 : i64, scratch_operands = 13 : i64, tpu.core_type = #tpu.core_type<sc_vector_subcore>, window_params = [{transform_indices = #map}, {transform_indices = #map1}, {transform_indices = #map}]} {
    %mul3A = arith.constant 2 : i32
    %mul3A_0 = arith.muli %arg1, %mul3A : i32
    %add3A = arith.addi %mul3A_0, %arg0 : i32
    %mul3A_1 = arith.constant 128 : i32
    %mul3A_2 = arith.muli %add3A, %mul3A_1 : i32
    "tpu.region"() ({
      %run_scoped3A = tpu.sem_alloc : memref<!tpu.dma_semaphore, #tpu.memory_space<semaphore_mem>>
      tpu.enqueue_dma source(%arg3 : memref<8192xi32, #tpu.memory_space<hbm>>) target(%arg5 : memref<8192xi32, #tpu.memory_space<vmem>>) target_semaphore(%run_scoped3A : memref<!tpu.dma_semaphore, #tpu.memory_space<semaphore_mem>>)
      tpu.wait_dma2 semaphore(%run_scoped3A : memref<!tpu.dma_semaphore, #tpu.memory_space<semaphore_mem>>) src(%arg3 : memref<8192xi32, #tpu.memory_space<hbm>>) dst(%arg5 : memref<8192xi32, #tpu.memory_space<vmem>>)
      tpu.yield
    }) : () -> ()
    %add3A_3 = arith.constant 0 : i32
    %add3A_4 = arith.addi %mul3A_2, %add3A_3 : i32
    %dma_start3A = arith.constant 0 : i32
    %dma_start3A_5 = tpu.memref_slice %arg2[%add3A_4, %dma_start3A] : memref<4096x8192xf32, #tpu.memory_space<hbm>> -> memref<2x8192xf32, #tpu.memory_space<hbm>>
    %dma_start3A_6 = arith.constant 0 : i32
    %dma_start3A_7 = tpu.memref_slice %arg2[%add3A_4, %dma_start3A_6] : memref<4096x8192xf32, #tpu.memory_space<hbm>> -> memref<2x8192xf32, #tpu.memory_space<hbm>>
    tpu.enqueue_dma source(%dma_start3A_7 : memref<2x8192xf32, #tpu.memory_space<hbm>>) target(%arg6 : memref<2x8192xf32, #tpu.memory_space<vmem>>) target_semaphore(%arg12 : memref<!tpu.dma_semaphore, #tpu.memory_space<semaphore_mem>>)
    %add3A_8 = arith.constant 2 : i32
    %add3A_9 = arith.addi %mul3A_2, %add3A_8 : i32
    %dma_start3A_10 = arith.constant 0 : i32
    %dma_start3A_11 = tpu.memref_slice %arg2[%add3A_9, %dma_start3A_10] : memref<4096x8192xf32, #tpu.memory_space<hbm>> -> memref<2x8192xf32, #tpu.memory_space<hbm>>
    %dma_start3A_12 = arith.constant 0 : i32
    %dma_start3A_13 = tpu.memref_slice %arg2[%add3A_9, %dma_start3A_12] : memref<4096x8192xf32, #tpu.memory_space<hbm>> -> memref<2x8192xf32, #tpu.memory_space<hbm>>
    tpu.enqueue_dma source(%dma_start3A_13 : memref<2x8192xf32, #tpu.memory_space<hbm>>) target(%arg7 : memref<2x8192xf32, #tpu.memory_space<vmem>>) target_semaphore(%arg13 : memref<!tpu.dma_semaphore, #tpu.memory_space<semaphore_mem>>)
    %add3A_14 = arith.constant 4 : i32
    %add3A_15 = arith.addi %mul3A_2, %add3A_14 : i32
    %dma_start3A_16 = arith.constant 0 : i32
    %dma_start3A_17 = tpu.memref_slice %arg2[%add3A_15, %dma_start3A_16] : memref<4096x8192xf32, #tpu.memory_space<hbm>> -> memref<2x8192xf32, #tpu.memory_space<hbm>>
    %dma_start3A_18 = arith.constant 0 : i32
    %dma_start3A_19 = tpu.memref_slice %arg2[%add3A_15, %dma_start3A_18] : memref<4096x8192xf32, #tpu.memory_space<hbm>> -> memref<2x8192xf32, #tpu.memory_space<hbm>>
    tpu.enqueue_dma source(%dma_start3A_19 : memref<2x8192xf32, #tpu.memory_space<hbm>>) target(%arg8 : memref<2x8192xf32, #tpu.memory_space<vmem>>) target_semaphore(%arg14 : memref<!tpu.dma_semaphore, #tpu.memory_space<semaphore_mem>>)
    %add3A_20 = arith.constant 6 : i32
    %add3A_21 = arith.addi %mul3A_2, %add3A_20 : i32
    %dma_start3A_22 = arith.constant 0 : i32
    %dma_start3A_23 = tpu.memref_slice %arg2[%add3A_21, %dma_start3A_22] : memref<4096x8192xf32, #tpu.memory_space<hbm>> -> memref<2x8192xf32, #tpu.memory_space<hbm>>
    %dma_start3A_24 = arith.constant 0 : i32
    %dma_start3A_25 = tpu.memref_slice %arg2[%add3A_21, %dma_start3A_24] : memref<4096x8192xf32, #tpu.memory_space<hbm>> -> memref<2x8192xf32, #tpu.memory_space<hbm>>
    tpu.enqueue_dma source(%dma_start3A_25 : memref<2x8192xf32, #tpu.memory_space<hbm>>) target(%arg9 : memref<2x8192xf32, #tpu.memory_space<vmem>>) target_semaphore(%arg15 : memref<!tpu.dma_semaphore, #tpu.memory_space<semaphore_mem>>)
    %scan3A = arith.constant 0 : i32
    %scan3A_26 = arith.constant 0 : i32
    %scan3A_27 = arith.constant 16 : i32
    %scan3A_28 = arith.addi %scan3A_26, %scan3A_27 : i32
    %scan3A_29 = arith.constant 1 : i32
    scf.for %scan3A_42 = %scan3A_26 to %scan3A_28 step %scan3A_29  : i32 {
      %mul3A_43 = arith.constant 4 : i32
      %mul3A_44 = arith.muli %mul3A_43, %scan3A_42 : i32
      %add3A_45 = arith.constant 0 : i32
      %add3A_46 = arith.addi %mul3A_44, %add3A_45 : i32
      %mul3A_47 = arith.constant 2 : i32
      %mul3A_48 = arith.muli %add3A_46, %mul3A_47 : i32
      %add3A_49 = arith.addi %mul3A_2, %mul3A_48 : i32
      %dma_wait3A_50 = arith.constant 0 : i32
      %dma_wait3A_51 = tpu.memref_slice %arg2[%add3A_49, %dma_wait3A_50] : memref<4096x8192xf32, #tpu.memory_space<hbm>> -> memref<2x8192xf32, #tpu.memory_space<hbm>>
      %dma_wait3A_52 = arith.constant 0 : i32
      %dma_wait3A_53 = tpu.memref_slice %arg2[%add3A_49, %dma_wait3A_52] : memref<4096x8192xf32, #tpu.memory_space<hbm>> -> memref<2x8192xf32, #tpu.memory_space<hbm>>
      tpu.wait_dma2 semaphore(%arg12 : memref<!tpu.dma_semaphore, #tpu.memory_space<semaphore_mem>>) src(%dma_wait3A_53 : memref<2x8192xf32, #tpu.memory_space<hbm>>) dst(%arg6 : memref<2x8192xf32, #tpu.memory_space<vmem>>)
      %ge3A = arith.constant 2 : i32
      %ge3A_54 = arith.cmpi sge, %add3A_46, %ge3A : i32
      %convert_element_type3A = arith.extui %ge3A_54 : i1 to i32
      %cond3A = arith.constant 0 : i32
      %cond3A_55 = arith.cmpi ne, %convert_element_type3A, %cond3A : i32
      scf.if %cond3A_55 {
        %sub3A = arith.constant 2 : i32
        %sub3A_170 = arith.subi %add3A_46, %sub3A : i32
        %mul3A_171 = arith.constant 2 : i32
        %mul3A_172 = arith.muli %sub3A_170, %mul3A_171 : i32
        %add3A_173 = arith.addi %mul3A_2, %mul3A_172 : i32
        %dma_wait3A_174 = arith.constant 0 : i32
        %dma_wait3A_175 = tpu.memref_slice %arg4[%add3A_173, %dma_wait3A_174] : memref<4096x8192xf32, #tpu.memory_space<hbm>> -> memref<2x8192xf32, #tpu.memory_space<hbm>>
        %dma_wait3A_176 = arith.constant 0 : i32
        %dma_wait3A_177 = tpu.memref_slice %arg4[%add3A_173, %dma_wait3A_176] : memref<4096x8192xf32, #tpu.memory_space<hbm>> -> memref<2x8192xf32, #tpu.memory_space<hbm>>
        tpu.wait_dma2 semaphore(%arg16 : memref<!tpu.dma_semaphore, #tpu.memory_space<semaphore_mem>>) src(%arg10 : memref<2x8192xf32, #tpu.memory_space<vmem>>) dst(%dma_wait3A_177 : memref<2x8192xf32, #tpu.memory_space<hbm>>)
      } else {
      }
      %parallel_loop3A = arith.constant 0 : i32
      %parallel_loop3A_56 = arith.constant 512 : i32
      %parallel_loop3A_57 = arith.constant 1 : i32
      scf.for %parallel_loop3A_170 = %parallel_loop3A to %parallel_loop3A_56 step %parallel_loop3A_57  : i32 {
        %parallel_loop3A_171 = arith.constant 16 : i32
        %parallel_loop3A_172 = arith.muli %parallel_loop3A_170, %parallel_loop3A_171 : i32
        %parallel_loop3A_173 = arith.index_cast %parallel_loop3A_172 : i32 to index
        %parallel_loop3A_174 = tpu.vector_load %arg5[%parallel_loop3A_173] {strides = array<i32>} : memref<8192xi32, #tpu.memory_space<vmem>>, vector<16xi32>,
        %parallel_loop3A_175 = arith.constant 0 : i32
        %parallel_loop3A_176 = vector.broadcast %parallel_loop3A_175 : i32 to vector<16xi32>
        %parallel_loop3A_177 = tpu.vector_load_idx %arg6[%parallel_loop3A_176, %parallel_loop3A_174] : memref<2x8192xf32, #tpu.memory_space<vmem>>[vector<16xi32>, vector<16xi32>], vector<16xf32>,
        %parallel_loop3A_178 = arith.constant 0 : i32
        %parallel_loop3A_179 = arith.index_cast %parallel_loop3A_178 : i32 to index
        %parallel_loop3A_180 = arith.index_cast %parallel_loop3A_172 : i32 to index
        %parallel_loop3A_181 = tpu.vector_load %arg10[%parallel_loop3A_179, %parallel_loop3A_180] {strides = array<i32>} : memref<2x8192xf32, #tpu.memory_space<vmem>>, vector<16xf32>,
        tpu.vector_store %arg10[%parallel_loop3A_179, %parallel_loop3A_180], %parallel_loop3A_177 {strides = array<i32>} : memref<2x8192xf32, #tpu.memory_space<vmem>>, vector<16xf32>,
        %parallel_loop3A_182 = arith.constant 1 : i32
        %parallel_loop3A_183 = vector.broadcast %parallel_loop3A_182 : i32 to vector<16xi32>
        %parallel_loop3A_184 = tpu.vector_load_idx %arg6[%parallel_loop3A_183, %parallel_loop3A_174] : memref<2x8192xf32, #tpu.memory_space<vmem>>[vector<16xi32>, vector<16xi32>], vector<16xf32>,
        %parallel_loop3A_185 = arith.constant 1 : i32
        %parallel_loop3A_186 = arith.index_cast %parallel_loop3A_185 : i32 to index
        %parallel_loop3A_187 = arith.index_cast %parallel_loop3A_172 : i32 to index
        %parallel_loop3A_188 = tpu.vector_load %arg10[%parallel_loop3A_186, %parallel_loop3A_187] {strides = array<i32>} : memref<2x8192xf32, #tpu.memory_space<vmem>>, vector<16xf32>,
        tpu.vector_store %arg10[%parallel_loop3A_186, %parallel_loop3A_187], %parallel_loop3A_184 {strides = array<i32>} : memref<2x8192xf32, #tpu.memory_space<vmem>>, vector<16xf32>,
      } {sc.loop_unroll_factor = 4 : i64, sc.parallel_access}
      %mul3A_58 = arith.constant 2 : i32
      %mul3A_59 = arith.muli %add3A_46, %mul3A_58 : i32
      %add3A_60 = arith.addi %mul3A_2, %mul3A_59 : i32
      %dma_start3A_61 = arith.constant 0 : i32
      %dma_start3A_62 = tpu.memref_slice %arg4[%add3A_60, %dma_start3A_61] : memref<4096x8192xf32, #tpu.memory_space<hbm>> -> memref<2x8192xf32, #tpu.memory_space<hbm>>
      %dma_start3A_63 = arith.constant 0 : i32
      %dma_start3A_64 = tpu.memref_slice %arg4[%add3A_60, %dma_start3A_63] : memref<4096x8192xf32, #tpu.memory_space<hbm>> -> memref<2x8192xf32, #tpu.memory_space<hbm>>
      tpu.enqueue_dma source(%arg10 : memref<2x8192xf32, #tpu.memory_space<vmem>>) target(%dma_start3A_64 : memref<2x8192xf32, #tpu.memory_space<hbm>>) target_semaphore(%arg16 : memref<!tpu.dma_semaphore, #tpu.memory_space<semaphore_mem>>)
      %add3A_65 = arith.constant 4 : i32
      %add3A_66 = arith.addi %add3A_46, %add3A_65 : i32
      %lt3A = arith.constant 64 : i32
      %lt3A_67 = arith.cmpi slt, %add3A_66, %lt3A : i32
      %convert_element_type3A_68 = arith.extui %lt3A_67 : i1 to i32
      %cond3A_69 = arith.constant 0 : i32
      %cond3A_70 = arith.cmpi ne, %convert_element_type3A_68, %cond3A_69 : i32
      scf.if %cond3A_70 {
        %add3A_170 = arith.constant 4 : i32
        %add3A_171 = arith.addi %add3A_46, %add3A_170 : i32
        %mul3A_172 = arith.constant 2 : i32
        %mul3A_173 = arith.muli %add3A_171, %mul3A_172 : i32
        %add3A_174 = arith.addi %mul3A_2, %mul3A_173 : i32
        %dma_start3A_175 = arith.constant 0 : i32
        %dma_start3A_176 = tpu.memref_slice %arg2[%add3A_174, %dma_start3A_175] : memref<4096x8192xf32, #tpu.memory_space<hbm>> -> memref<2x8192xf32, #tpu.memory_space<hbm>>
        %dma_start3A_177 = arith.constant 0 : i32
        %dma_start3A_178 = tpu.memref_slice %arg2[%add3A_174, %dma_start3A_177] : memref<4096x8192xf32, #tpu.memory_space<hbm>> -> memref<2x8192xf32, #tpu.memory_space<hbm>>
        tpu.enqueue_dma source(%dma_start3A_178 : memref<2x8192xf32, #tpu.memory_space<hbm>>) target(%arg6 : memref<2x8192xf32, #tpu.memory_space<vmem>>) target_semaphore(%arg12 : memref<!tpu.dma_semaphore, #tpu.memory_space<semaphore_mem>>)
      } else {
      }
      %mul3A_71 = arith.constant 4 : i32
      %mul3A_72 = arith.muli %mul3A_71, %scan3A_42 : i32
      %add3A_73 = arith.constant 1 : i32
      %add3A_74 = arith.addi %mul3A_72, %add3A_73 : i32
      %mul3A_75 = arith.constant 2 : i32
      %mul3A_76 = arith.muli %add3A_74, %mul3A_75 : i32
      %add3A_77 = arith.addi %mul3A_2, %mul3A_76 : i32
      %dma_wait3A_78 = arith.constant 0 : i32
      %dma_wait3A_79 = tpu.memref_slice %arg2[%add3A_77, %dma_wait3A_78] : memref<4096x8192xf32, #tpu.memory_space<hbm>> -> memref<2x8192xf32, #tpu.memory_space<hbm>>
      %dma_wait3A_80 = arith.constant 0 : i32
      %dma_wait3A_81 = tpu.memref_slice %arg2[%add3A_77, %dma_wait3A_80] : memref<4096x8192xf32, #tpu.memory_space<hbm>> -> memref<2x8192xf32, #tpu.memory_space<hbm>>
      tpu.wait_dma2 semaphore(%arg13 : memref<!tpu.dma_semaphore, #tpu.memory_space<semaphore_mem>>) src(%dma_wait3A_81 : memref<2x8192xf32, #tpu.memory_space<hbm>>) dst(%arg7 : memref<2x8192xf32, #tpu.memory_space<vmem>>)
      %ge3A_82 = arith.constant 2 : i32
      %ge3A_83 = arith.cmpi sge, %add3A_74, %ge3A_82 : i32
      %convert_element_type3A_84 = arith.extui %ge3A_83 : i1 to i32
      %cond3A_85 = arith.constant 0 : i32
      %cond3A_86 = arith.cmpi ne, %convert_element_type3A_84, %cond3A_85 : i32
      scf.if %cond3A_86 {
        %sub3A = arith.constant 2 : i32
        %sub3A_170 = arith.subi %add3A_74, %sub3A : i32
        %mul3A_171 = arith.constant 2 : i32
        %mul3A_172 = arith.muli %sub3A_170, %mul3A_171 : i32
        %add3A_173 = arith.addi %mul3A_2, %mul3A_172 : i32
        %dma_wait3A_174 = arith.constant 0 : i32
        %dma_wait3A_175 = tpu.memref_slice %arg4[%add3A_173, %dma_wait3A_174] : memref<4096x8192xf32, #tpu.memory_space<hbm>> -> memref<2x8192xf32, #tpu.memory_space<hbm>>
        %dma_wait3A_176 = arith.constant 0 : i32
        %dma_wait3A_177 = tpu.memref_slice %arg4[%add3A_173, %dma_wait3A_176] : memref<4096x8192xf32, #tpu.memory_space<hbm>> -> memref<2x8192xf32, #tpu.memory_space<hbm>>
        tpu.wait_dma2 semaphore(%arg17 : memref<!tpu.dma_semaphore, #tpu.memory_space<semaphore_mem>>) src(%arg11 : memref<2x8192xf32, #tpu.memory_space<vmem>>) dst(%dma_wait3A_177 : memref<2x8192xf32, #tpu.memory_space<hbm>>)
      } else {
      }
      %parallel_loop3A_87 = arith.constant 0 : i32
      %parallel_loop3A_88 = arith.constant 512 : i32
      %parallel_loop3A_89 = arith.constant 1 : i32
      scf.for %parallel_loop3A_170 = %parallel_loop3A_87 to %parallel_loop3A_88 step %parallel_loop3A_89  : i32 {
        %parallel_loop3A_171 = arith.constant 16 : i32
        %parallel_loop3A_172 = arith.muli %parallel_loop3A_170, %parallel_loop3A_171 : i32
        %parallel_loop3A_173 = arith.index_cast %parallel_loop3A_172 : i32 to index
        %parallel_loop3A_174 = tpu.vector_load %arg5[%parallel_loop3A_173] {strides = array<i32>} : memref<8192xi32, #tpu.memory_space<vmem>>, vector<16xi32>,
        %parallel_loop3A_175 = arith.constant 0 : i32
        %parallel_loop3A_176 = vector.broadcast %parallel_loop3A_175 : i32 to vector<16xi32>
        %parallel_loop3A_177 = tpu.vector_load_idx %arg7[%parallel_loop3A_176, %parallel_loop3A_174] : memref<2x8192xf32, #tpu.memory_space<vmem>>[vector<16xi32>, vector<16xi32>], vector<16xf32>,
        %parallel_loop3A_178 = arith.constant 0 : i32
        %parallel_loop3A_179 = arith.index_cast %parallel_loop3A_178 : i32 to index
        %parallel_loop3A_180 = arith.index_cast %parallel_loop3A_172 : i32 to index
        %parallel_loop3A_181 = tpu.vector_load %arg11[%parallel_loop3A_179, %parallel_loop3A_180] {strides = array<i32>} : memref<2x8192xf32, #tpu.memory_space<vmem>>, vector<16xf32>,
        tpu.vector_store %arg11[%parallel_loop3A_179, %parallel_loop3A_180], %parallel_loop3A_177 {strides = array<i32>} : memref<2x8192xf32, #tpu.memory_space<vmem>>, vector<16xf32>,
        %parallel_loop3A_182 = arith.constant 1 : i32
        %parallel_loop3A_183 = vector.broadcast %parallel_loop3A_182 : i32 to vector<16xi32>
        %parallel_loop3A_184 = tpu.vector_load_idx %arg7[%parallel_loop3A_183, %parallel_loop3A_174] : memref<2x8192xf32, #tpu.memory_space<vmem>>[vector<16xi32>, vector<16xi32>], vector<16xf32>,
        %parallel_loop3A_185 = arith.constant 1 : i32
        %parallel_loop3A_186 = arith.index_cast %parallel_loop3A_185 : i32 to index
        %parallel_loop3A_187 = arith.index_cast %parallel_loop3A_172 : i32 to index
        %parallel_loop3A_188 = tpu.vector_load %arg11[%parallel_loop3A_186, %parallel_loop3A_187] {strides = array<i32>} : memref<2x8192xf32, #tpu.memory_space<vmem>>, vector<16xf32>,
        tpu.vector_store %arg11[%parallel_loop3A_186, %parallel_loop3A_187], %parallel_loop3A_184 {strides = array<i32>} : memref<2x8192xf32, #tpu.memory_space<vmem>>, vector<16xf32>,
      } {sc.loop_unroll_factor = 4 : i64, sc.parallel_access}
      %mul3A_90 = arith.constant 2 : i32
      %mul3A_91 = arith.muli %add3A_74, %mul3A_90 : i32
      %add3A_92 = arith.addi %mul3A_2, %mul3A_91 : i32
      %dma_start3A_93 = arith.constant 0 : i32
      %dma_start3A_94 = tpu.memref_slice %arg4[%add3A_92, %dma_start3A_93] : memref<4096x8192xf32, #tpu.memory_space<hbm>> -> memref<2x8192xf32, #tpu.memory_space<hbm>>
      %dma_start3A_95 = arith.constant 0 : i32
      %dma_start3A_96 = tpu.memref_slice %arg4[%add3A_92, %dma_start3A_95] : memref<4096x8192xf32, #tpu.memory_space<hbm>> -> memref<2x8192xf32, #tpu.memory_space<hbm>>
      tpu.enqueue_dma source(%arg11 : memref<2x8192xf32, #tpu.memory_space<vmem>>) target(%dma_start3A_96 : memref<2x8192xf32, #tpu.memory_space<hbm>>) target_semaphore(%arg17 : memref<!tpu.dma_semaphore, #tpu.memory_space<semaphore_mem>>)
      %add3A_97 = arith.constant 4 : i32
      %add3A_98 = arith.addi %add3A_74, %add3A_97 : i32
      %lt3A_99 = arith.constant 64 : i32
      %lt3A_100 = arith.cmpi slt, %add3A_98, %lt3A_99 : i32
      %convert_element_type3A_101 = arith.extui %lt3A_100 : i1 to i32
      %cond3A_102 = arith.constant 0 : i32
      %cond3A_103 = arith.cmpi ne, %convert_element_type3A_101, %cond3A_102 : i32
      scf.if %cond3A_103 {
        %add3A_170 = arith.constant 4 : i32
        %add3A_171 = arith.addi %add3A_74, %add3A_170 : i32
        %mul3A_172 = arith.constant 2 : i32
        %mul3A_173 = arith.muli %add3A_171, %mul3A_172 : i32
        %add3A_174 = arith.addi %mul3A_2, %mul3A_173 : i32
        %dma_start3A_175 = arith.constant 0 : i32
        %dma_start3A_176 = tpu.memref_slice %arg2[%add3A_174, %dma_start3A_175] : memref<4096x8192xf32, #tpu.memory_space<hbm>> -> memref<2x8192xf32, #tpu.memory_space<hbm>>
        %dma_start3A_177 = arith.constant 0 : i32
        %dma_start3A_178 = tpu.memref_slice %arg2[%add3A_174, %dma_start3A_177] : memref<4096x8192xf32, #tpu.memory_space<hbm>> -> memref<2x8192xf32, #tpu.memory_space<hbm>>
        tpu.enqueue_dma source(%dma_start3A_178 : memref<2x8192xf32, #tpu.memory_space<hbm>>) target(%arg7 : memref<2x8192xf32, #tpu.memory_space<vmem>>) target_semaphore(%arg13 : memref<!tpu.dma_semaphore, #tpu.memory_space<semaphore_mem>>)
      } else {
      }
      %mul3A_104 = arith.constant 4 : i32
      %mul3A_105 = arith.muli %mul3A_104, %scan3A_42 : i32
      %add3A_106 = arith.constant 2 : i32
      %add3A_107 = arith.addi %mul3A_105, %add3A_106 : i32
      %mul3A_108 = arith.constant 2 : i32
      %mul3A_109 = arith.muli %add3A_107, %mul3A_108 : i32
      %add3A_110 = arith.addi %mul3A_2, %mul3A_109 : i32
      %dma_wait3A_111 = arith.constant 0 : i32
      %dma_wait3A_112 = tpu.memref_slice %arg2[%add3A_110, %dma_wait3A_111] : memref<4096x8192xf32, #tpu.memory_space<hbm>> -> memref<2x8192xf32, #tpu.memory_space<hbm>>
      %dma_wait3A_113 = arith.constant 0 : i32
      %dma_wait3A_114 = tpu.memref_slice %arg2[%add3A_110, %dma_wait3A_113] : memref<4096x8192xf32, #tpu.memory_space<hbm>> -> memref<2x8192xf32, #tpu.memory_space<hbm>>
      tpu.wait_dma2 semaphore(%arg14 : memref<!tpu.dma_semaphore, #tpu.memory_space<semaphore_mem>>) src(%dma_wait3A_114 : memref<2x8192xf32, #tpu.memory_space<hbm>>) dst(%arg8 : memref<2x8192xf32, #tpu.memory_space<vmem>>)
      %ge3A_115 = arith.constant 2 : i32
      %ge3A_116 = arith.cmpi sge, %add3A_107, %ge3A_115 : i32
      %convert_element_type3A_117 = arith.extui %ge3A_116 : i1 to i32
      %cond3A_118 = arith.constant 0 : i32
      %cond3A_119 = arith.cmpi ne, %convert_element_type3A_117, %cond3A_118 : i32
      scf.if %cond3A_119 {
        %sub3A = arith.constant 2 : i32
        %sub3A_170 = arith.subi %add3A_107, %sub3A : i32
        %mul3A_171 = arith.constant 2 : i32
        %mul3A_172 = arith.muli %sub3A_170, %mul3A_171 : i32
        %add3A_173 = arith.addi %mul3A_2, %mul3A_172 : i32
        %dma_wait3A_174 = arith.constant 0 : i32
        %dma_wait3A_175 = tpu.memref_slice %arg4[%add3A_173, %dma_wait3A_174] : memref<4096x8192xf32, #tpu.memory_space<hbm>> -> memref<2x8192xf32, #tpu.memory_space<hbm>>
        %dma_wait3A_176 = arith.constant 0 : i32
        %dma_wait3A_177 = tpu.memref_slice %arg4[%add3A_173, %dma_wait3A_176] : memref<4096x8192xf32, #tpu.memory_space<hbm>> -> memref<2x8192xf32, #tpu.memory_space<hbm>>
        tpu.wait_dma2 semaphore(%arg16 : memref<!tpu.dma_semaphore, #tpu.memory_space<semaphore_mem>>) src(%arg10 : memref<2x8192xf32, #tpu.memory_space<vmem>>) dst(%dma_wait3A_177 : memref<2x8192xf32, #tpu.memory_space<hbm>>)
      } else {
      }
      %parallel_loop3A_120 = arith.constant 0 : i32
      %parallel_loop3A_121 = arith.constant 512 : i32
      %parallel_loop3A_122 = arith.constant 1 : i32
      scf.for %parallel_loop3A_170 = %parallel_loop3A_120 to %parallel_loop3A_121 step %parallel_loop3A_122  : i32 {
        %parallel_loop3A_171 = arith.constant 16 : i32
        %parallel_loop3A_172 = arith.muli %parallel_loop3A_170, %parallel_loop3A_171 : i32
        %parallel_loop3A_173 = arith.index_cast %parallel_loop3A_172 : i32 to index
        %parallel_loop3A_174 = tpu.vector_load %arg5[%parallel_loop3A_173] {strides = array<i32>} : memref<8192xi32, #tpu.memory_space<vmem>>, vector<16xi32>,
        %parallel_loop3A_175 = arith.constant 0 : i32
        %parallel_loop3A_176 = vector.broadcast %parallel_loop3A_175 : i32 to vector<16xi32>
        %parallel_loop3A_177 = tpu.vector_load_idx %arg8[%parallel_loop3A_176, %parallel_loop3A_174] : memref<2x8192xf32, #tpu.memory_space<vmem>>[vector<16xi32>, vector<16xi32>], vector<16xf32>,
        %parallel_loop3A_178 = arith.constant 0 : i32
        %parallel_loop3A_179 = arith.index_cast %parallel_loop3A_178 : i32 to index
        %parallel_loop3A_180 = arith.index_cast %parallel_loop3A_172 : i32 to index
        %parallel_loop3A_181 = tpu.vector_load %arg10[%parallel_loop3A_179, %parallel_loop3A_180] {strides = array<i32>} : memref<2x8192xf32, #tpu.memory_space<vmem>>, vector<16xf32>,
        tpu.vector_store %arg10[%parallel_loop3A_179, %parallel_loop3A_180], %parallel_loop3A_177 {strides = array<i32>} : memref<2x8192xf32, #tpu.memory_space<vmem>>, vector<16xf32>,
        %parallel_loop3A_182 = arith.constant 1 : i32
        %parallel_loop3A_183 = vector.broadcast %parallel_loop3A_182 : i32 to vector<16xi32>
        %parallel_loop3A_184 = tpu.vector_load_idx %arg8[%parallel_loop3A_183, %parallel_loop3A_174] : memref<2x8192xf32, #tpu.memory_space<vmem>>[vector<16xi32>, vector<16xi32>], vector<16xf32>,
        %parallel_loop3A_185 = arith.constant 1 : i32
        %parallel_loop3A_186 = arith.index_cast %parallel_loop3A_185 : i32 to index
        %parallel_loop3A_187 = arith.index_cast %parallel_loop3A_172 : i32 to index
        %parallel_loop3A_188 = tpu.vector_load %arg10[%parallel_loop3A_186, %parallel_loop3A_187] {strides = array<i32>} : memref<2x8192xf32, #tpu.memory_space<vmem>>, vector<16xf32>,
        tpu.vector_store %arg10[%parallel_loop3A_186, %parallel_loop3A_187], %parallel_loop3A_184 {strides = array<i32>} : memref<2x8192xf32, #tpu.memory_space<vmem>>, vector<16xf32>,
      } {sc.loop_unroll_factor = 4 : i64, sc.parallel_access}
      %mul3A_123 = arith.constant 2 : i32
      %mul3A_124 = arith.muli %add3A_107, %mul3A_123 : i32
      %add3A_125 = arith.addi %mul3A_2, %mul3A_124 : i32
      %dma_start3A_126 = arith.constant 0 : i32
      %dma_start3A_127 = tpu.memref_slice %arg4[%add3A_125, %dma_start3A_126] : memref<4096x8192xf32, #tpu.memory_space<hbm>> -> memref<2x8192xf32, #tpu.memory_space<hbm>>
      %dma_start3A_128 = arith.constant 0 : i32
      %dma_start3A_129 = tpu.memref_slice %arg4[%add3A_125, %dma_start3A_128] : memref<4096x8192xf32, #tpu.memory_space<hbm>> -> memref<2x8192xf32, #tpu.memory_space<hbm>>
      tpu.enqueue_dma source(%arg10 : memref<2x8192xf32, #tpu.memory_space<vmem>>) target(%dma_start3A_129 : memref<2x8192xf32, #tpu.memory_space<hbm>>) target_semaphore(%arg16 : memref<!tpu.dma_semaphore, #tpu.memory_space<semaphore_mem>>)
      %add3A_130 = arith.constant 4 : i32
      %add3A_131 = arith.addi %add3A_107, %add3A_130 : i32
      %lt3A_132 = arith.constant 64 : i32
      %lt3A_133 = arith.cmpi slt, %add3A_131, %lt3A_132 : i32
      %convert_element_type3A_134 = arith.extui %lt3A_133 : i1 to i32
      %cond3A_135 = arith.constant 0 : i32
      %cond3A_136 = arith.cmpi ne, %convert_element_type3A_134, %cond3A_135 : i32
      scf.if %cond3A_136 {
        %add3A_170 = arith.constant 4 : i32
        %add3A_171 = arith.addi %add3A_107, %add3A_170 : i32
        %mul3A_172 = arith.constant 2 : i32
        %mul3A_173 = arith.muli %add3A_171, %mul3A_172 : i32
        %add3A_174 = arith.addi %mul3A_2, %mul3A_173 : i32
        %dma_start3A_175 = arith.constant 0 : i32
        %dma_start3A_176 = tpu.memref_slice %arg2[%add3A_174, %dma_start3A_175] : memref<4096x8192xf32, #tpu.memory_space<hbm>> -> memref<2x8192xf32, #tpu.memory_space<hbm>>
        %dma_start3A_177 = arith.constant 0 : i32
        %dma_start3A_178 = tpu.memref_slice %arg2[%add3A_174, %dma_start3A_177] : memref<4096x8192xf32, #tpu.memory_space<hbm>> -> memref<2x8192xf32, #tpu.memory_space<hbm>>
        tpu.enqueue_dma source(%dma_start3A_178 : memref<2x8192xf32, #tpu.memory_space<hbm>>) target(%arg8 : memref<2x8192xf32, #tpu.memory_space<vmem>>) target_semaphore(%arg14 : memref<!tpu.dma_semaphore, #tpu.memory_space<semaphore_mem>>)
      } else {
      }
      %mul3A_137 = arith.constant 4 : i32
      %mul3A_138 = arith.muli %mul3A_137, %scan3A_42 : i32
      %add3A_139 = arith.constant 3 : i32
      %add3A_140 = arith.addi %mul3A_138, %add3A_139 : i32
      %mul3A_141 = arith.constant 2 : i32
      %mul3A_142 = arith.muli %add3A_140, %mul3A_141 : i32
      %add3A_143 = arith.addi %mul3A_2, %mul3A_142 : i32
      %dma_wait3A_144 = arith.constant 0 : i32
      %dma_wait3A_145 = tpu.memref_slice %arg2[%add3A_143, %dma_wait3A_144] : memref<4096x8192xf32, #tpu.memory_space<hbm>> -> memref<2x8192xf32, #tpu.memory_space<hbm>>
      %dma_wait3A_146 = arith.constant 0 : i32
      %dma_wait3A_147 = tpu.memref_slice %arg2[%add3A_143, %dma_wait3A_146] : memref<4096x8192xf32, #tpu.memory_space<hbm>> -> memref<2x8192xf32, #tpu.memory_space<hbm>>
      tpu.wait_dma2 semaphore(%arg15 : memref<!tpu.dma_semaphore, #tpu.memory_space<semaphore_mem>>) src(%dma_wait3A_147 : memref<2x8192xf32, #tpu.memory_space<hbm>>) dst(%arg9 : memref<2x8192xf32, #tpu.memory_space<vmem>>)
      %ge3A_148 = arith.constant 2 : i32
      %ge3A_149 = arith.cmpi sge, %add3A_140, %ge3A_148 : i32
      %convert_element_type3A_150 = arith.extui %ge3A_149 : i1 to i32
      %cond3A_151 = arith.constant 0 : i32
      %cond3A_152 = arith.cmpi ne, %convert_element_type3A_150, %cond3A_151 : i32
      scf.if %cond3A_152 {
        %sub3A = arith.constant 2 : i32
        %sub3A_170 = arith.subi %add3A_140, %sub3A : i32
        %mul3A_171 = arith.constant 2 : i32
        %mul3A_172 = arith.muli %sub3A_170, %mul3A_171 : i32
        %add3A_173 = arith.addi %mul3A_2, %mul3A_172 : i32
        %dma_wait3A_174 = arith.constant 0 : i32
        %dma_wait3A_175 = tpu.memref_slice %arg4[%add3A_173, %dma_wait3A_174] : memref<4096x8192xf32, #tpu.memory_space<hbm>> -> memref<2x8192xf32, #tpu.memory_space<hbm>>
        %dma_wait3A_176 = arith.constant 0 : i32
        %dma_wait3A_177 = tpu.memref_slice %arg4[%add3A_173, %dma_wait3A_176] : memref<4096x8192xf32, #tpu.memory_space<hbm>> -> memref<2x8192xf32, #tpu.memory_space<hbm>>
        tpu.wait_dma2 semaphore(%arg17 : memref<!tpu.dma_semaphore, #tpu.memory_space<semaphore_mem>>) src(%arg11 : memref<2x8192xf32, #tpu.memory_space<vmem>>) dst(%dma_wait3A_177 : memref<2x8192xf32, #tpu.memory_space<hbm>>)
      } else {
      }
      %parallel_loop3A_153 = arith.constant 0 : i32
      %parallel_loop3A_154 = arith.constant 512 : i32
      %parallel_loop3A_155 = arith.constant 1 : i32
      scf.for %parallel_loop3A_170 = %parallel_loop3A_153 to %parallel_loop3A_154 step %parallel_loop3A_155  : i32 {
        %parallel_loop3A_171 = arith.constant 16 : i32
        %parallel_loop3A_172 = arith.muli %parallel_loop3A_170, %parallel_loop3A_171 : i32
        %parallel_loop3A_173 = arith.index_cast %parallel_loop3A_172 : i32 to index
        %parallel_loop3A_174 = tpu.vector_load %arg5[%parallel_loop3A_173] {strides = array<i32>} : memref<8192xi32, #tpu.memory_space<vmem>>, vector<16xi32>,
        %parallel_loop3A_175 = arith.constant 0 : i32
        %parallel_loop3A_176 = vector.broadcast %parallel_loop3A_175 : i32 to vector<16xi32>
        %parallel_loop3A_177 = tpu.vector_load_idx %arg9[%parallel_loop3A_176, %parallel_loop3A_174] : memref<2x8192xf32, #tpu.memory_space<vmem>>[vector<16xi32>, vector<16xi32>], vector<16xf32>,
        %parallel_loop3A_178 = arith.constant 0 : i32
        %parallel_loop3A_179 = arith.index_cast %parallel_loop3A_178 : i32 to index
        %parallel_loop3A_180 = arith.index_cast %parallel_loop3A_172 : i32 to index
        %parallel_loop3A_181 = tpu.vector_load %arg11[%parallel_loop3A_179, %parallel_loop3A_180] {strides = array<i32>} : memref<2x8192xf32, #tpu.memory_space<vmem>>, vector<16xf32>,
        tpu.vector_store %arg11[%parallel_loop3A_179, %parallel_loop3A_180], %parallel_loop3A_177 {strides = array<i32>} : memref<2x8192xf32, #tpu.memory_space<vmem>>, vector<16xf32>,
        %parallel_loop3A_182 = arith.constant 1 : i32
        %parallel_loop3A_183 = vector.broadcast %parallel_loop3A_182 : i32 to vector<16xi32>
        %parallel_loop3A_184 = tpu.vector_load_idx %arg9[%parallel_loop3A_183, %parallel_loop3A_174] : memref<2x8192xf32, #tpu.memory_space<vmem>>[vector<16xi32>, vector<16xi32>], vector<16xf32>,
        %parallel_loop3A_185 = arith.constant 1 : i32
        %parallel_loop3A_186 = arith.index_cast %parallel_loop3A_185 : i32 to index
        %parallel_loop3A_187 = arith.index_cast %parallel_loop3A_172 : i32 to index
        %parallel_loop3A_188 = tpu.vector_load %arg11[%parallel_loop3A_186, %parallel_loop3A_187] {strides = array<i32>} : memref<2x8192xf32, #tpu.memory_space<vmem>>, vector<16xf32>,
        tpu.vector_store %arg11[%parallel_loop3A_186, %parallel_loop3A_187], %parallel_loop3A_184 {strides = array<i32>} : memref<2x8192xf32, #tpu.memory_space<vmem>>, vector<16xf32>,
      } {sc.loop_unroll_factor = 4 : i64, sc.parallel_access}
      %mul3A_156 = arith.constant 2 : i32
      %mul3A_157 = arith.muli %add3A_140, %mul3A_156 : i32
      %add3A_158 = arith.addi %mul3A_2, %mul3A_157 : i32
      %dma_start3A_159 = arith.constant 0 : i32
      %dma_start3A_160 = tpu.memref_slice %arg4[%add3A_158, %dma_start3A_159] : memref<4096x8192xf32, #tpu.memory_space<hbm>> -> memref<2x8192xf32, #tpu.memory_space<hbm>>
      %dma_start3A_161 = arith.constant 0 : i32
      %dma_start3A_162 = tpu.memref_slice %arg4[%add3A_158, %dma_start3A_161] : memref<4096x8192xf32, #tpu.memory_space<hbm>> -> memref<2x8192xf32, #tpu.memory_space<hbm>>
      tpu.enqueue_dma source(%arg11 : memref<2x8192xf32, #tpu.memory_space<vmem>>) target(%dma_start3A_162 : memref<2x8192xf32, #tpu.memory_space<hbm>>) target_semaphore(%arg17 : memref<!tpu.dma_semaphore, #tpu.memory_space<semaphore_mem>>)
      %add3A_163 = arith.constant 4 : i32
      %add3A_164 = arith.addi %add3A_140, %add3A_163 : i32
      %lt3A_165 = arith.constant 64 : i32
      %lt3A_166 = arith.cmpi slt, %add3A_164, %lt3A_165 : i32
      %convert_element_type3A_167 = arith.extui %lt3A_166 : i1 to i32
      %cond3A_168 = arith.constant 0 : i32
      %cond3A_169 = arith.cmpi ne, %convert_element_type3A_167, %cond3A_168 : i32
      scf.if %cond3A_169 {
        %add3A_170 = arith.constant 4 : i32
        %add3A_171 = arith.addi %add3A_140, %add3A_170 : i32
        %mul3A_172 = arith.constant 2 : i32
        %mul3A_173 = arith.muli %add3A_171, %mul3A_172 : i32
        %add3A_174 = arith.addi %mul3A_2, %mul3A_173 : i32
        %dma_start3A_175 = arith.constant 0 : i32
        %dma_start3A_176 = tpu.memref_slice %arg2[%add3A_174, %dma_start3A_175] : memref<4096x8192xf32, #tpu.memory_space<hbm>> -> memref<2x8192xf32, #tpu.memory_space<hbm>>
        %dma_start3A_177 = arith.constant 0 : i32
        %dma_start3A_178 = tpu.memref_slice %arg2[%add3A_174, %dma_start3A_177] : memref<4096x8192xf32, #tpu.memory_space<hbm>> -> memref<2x8192xf32, #tpu.memory_space<hbm>>
        tpu.enqueue_dma source(%dma_start3A_178 : memref<2x8192xf32, #tpu.memory_space<hbm>>) target(%arg9 : memref<2x8192xf32, #tpu.memory_space<vmem>>) target_semaphore(%arg15 : memref<!tpu.dma_semaphore, #tpu.memory_space<semaphore_mem>>)
      } else {
      }
    }
    %scan3A_30 = arith.constant 16 : i32
    %add3A_31 = arith.constant 124 : i32
    %add3A_32 = arith.addi %mul3A_2, %add3A_31 : i32
    %dma_wait3A = arith.constant 0 : i32
    %dma_wait3A_33 = tpu.memref_slice %arg4[%add3A_32, %dma_wait3A] : memref<4096x8192xf32, #tpu.memory_space<hbm>> -> memref<2x8192xf32, #tpu.memory_space<hbm>>
    %dma_wait3A_34 = arith.constant 0 : i32
    %dma_wait3A_35 = tpu.memref_slice %arg4[%add3A_32, %dma_wait3A_34] : memref<4096x8192xf32, #tpu.memory_space<hbm>> -> memref<2x8192xf32, #tpu.memory_space<hbm>>
    tpu.wait_dma2 semaphore(%arg16 : memref<!tpu.dma_semaphore, #tpu.memory_space<semaphore_mem>>) src(%arg10 : memref<2x8192xf32, #tpu.memory_space<vmem>>) dst(%dma_wait3A_35 : memref<2x8192xf32, #tpu.memory_space<hbm>>)
    %add3A_36 = arith.constant 126 : i32
    %add3A_37 = arith.addi %mul3A_2, %add3A_36 : i32
    %dma_wait3A_38 = arith.constant 0 : i32
    %dma_wait3A_39 = tpu.memref_slice %arg4[%add3A_37, %dma_wait3A_38] : memref<4096x8192xf32, #tpu.memory_space<hbm>> -> memref<2x8192xf32, #tpu.memory_space<hbm>>
    %dma_wait3A_40 = arith.constant 0 : i32
    %dma_wait3A_41 = tpu.memref_slice %arg4[%add3A_37, %dma_wait3A_40] : memref<4096x8192xf32, #tpu.memory_space<hbm>> -> memref<2x8192xf32, #tpu.memory_space<hbm>>
    tpu.wait_dma2 semaphore(%arg17 : memref<!tpu.dma_semaphore, #tpu.memory_space<semaphore_mem>>) src(%arg11 : memref<2x8192xf32, #tpu.memory_space<vmem>>) dst(%dma_wait3A_41 : memref<2x8192xf32, #tpu.memory_space<hbm>>)
    return
  }
}

</mosaic_0001>

<sc_bundles>
// kernel: kernel.3.cloned.1.call-start
scs
__scs_entry_jumppad:
0x0: {  	(pc) =	sbr.rel $0x88, $3  }
0x1: {  	(tag) =	ssettag $0x0;
	lr =	simm.s32 $0x1  }
0x2: {  	[smem:$0x3F9F] =	sst lr;
	_ =	strace $0xD0000000  }
0x3: {  	_ = 	snop  }
0x4: {  	_ = 	snop  }
0x5: {  	_ = 	snop  }
0x6: {  	_ = 	snop  }
0x7: {  	_ = 	snop  }
__scs_overlays_trampoline_lowered:
0x8: {  	[smem:$0x3FAE] =	sst s0  }
0x9: {  	[smem:$0x3FAF] =	sst s1  }
0xa: {  	[smem:$0x3FB0] =	sst s2  }
0xb: {  	[smem:$0x3FB1] =	sst s3  }
0xc: {  	[smem:$0x3FB2] =	sst s4  }
0xd: {  	[smem:$0x3FB3] =	sst s5  }
0xe: {  	[smem:$0x3FB4] =	sst s6  }
0xf: {  	[smem:$0x3FB5] =	sst s7  }
0x10: {  	[smem:$0x3FB6] =	sst s8  }
0x11: {  	[smem:$0x3FB7] =	sst s9;
	s0 =	simm.s32 @!p0 $0x0  }
0x12: {  	s1 =	sld [smem:$0x3F9D];
	s0 =	simm.s32 @p0 $0x1  }
0x13: {  	[smem:$0x3FB8] =	sst s0;
	s0 =	simm.s32 @!p1 $0x0  }
0x14: {  	s2 =	sld [smem:$0x3F9C];
	s0 =	simm.s32 @p1 $0x1  }
0x15: {  	[smem:$0x3FB9] =	sst s0;
	s0 =	simm.s32 @!p2 $0x0  }
0x16: {  	s3 =	sld [smem:$0x3FDB];
	s0 =	simm.s32 @p2 $0x1  }
0x17: {  	s4 =	simm.s32 $0x1BF5;
	[smem:$0x3FBB] =	sst s0  }
0x18: {  	s0 =	sld [smem:$0x3F9E];
	_ =	swait.ge [sflag:s4], $0x0  }
0x19: {  	s7 =	sld [smem:$0x3F9F]  }
0x1a: {  	s8 =	sadd.s32 $0xFFFFE003, lr  }
0x1b: {  	s9 =	sadd.s32 $0xFFFFFEF7, lr;
	s5 =	simm.s32 $0xFFFFFFFF;
	p2 =	slt.u32 s8, $0xFFFFF086  }
0x1c: {  	p1 =	slt.u32 s9, $0xF7A;
	s5 =	simm.s32 @!p2 $0x0  }
0x1d: {  	s5 =	simm.s32 @p1 $0x1;
	p0 =	seq.s32 s7, s2  }
0x1e: {  	s7 =	smul.u32 @!p0 $0xF7A, s2;
	p2 =	seq.s32 @!p0 s5, $0x0  }
0x1f: {  	s9 =	smul.u32 $0xF7A, s1;
	s8 =	simm.s32 @!p0 $0x1BF5;
	p2 =	por !p2, p0  }
0x20: {  	[sflag:s8] =	ssyncset.s32 @!p0 $0xFFFFF086;
	s6 =	sadd.s32 @!p0 s3, s7;
	s7 =	simm.s32 @!p0 $0x108  }
0x21: {  	s3 =	sadd.s32 s3, s9;
	s6 =	sadd.s32 @!p0 $0x88, s6;
	s7 =	simm.s32 @p2 $0x1082  }
0x22: {  	[simem:s7], [sflag:s8] =	dma.local @!p0 [hbm:s6], $0xF7A  }
0x23: {  	s9 =	sor.u32 $0xD0000000, s2;
	s6 =	simm.s32 $0x108;
	_ =	swait.ge @!p0 [sflag:s8], $0x0  }
0x24: {  	s3 =	sadd.s32 $0x88, s3;
	s6 =	simm.s32 @!p1 $0x1082;
	[sflag:s4] =	ssyncset.s32 $0xFFFFF086  }
0x25: {  	[simem:s6], [sflag:s4] =	dma.local [hbm:s3], $0xF7A  }
0x26: {  	[smem:$0x3F9F] =	sst s1;
	(tag) =	ssettag s2;
	_ =	strace s9  }
0x27: {  	s1 =	sld [smem:$0x3FAF]  }
0x28: {  	s2 =	sld [smem:$0x3FB0]  }
0x29: {  	s4 =	sld [smem:$0x3FB2]  }
0x2a: {  	p0 =	seq.s32 s5, $0x0;
	s5 =	sld [smem:$0x3FB3]  }
0x2b: {  	s6 =	sld [smem:$0x3FB4]  }
0x2c: {  	s7 =	sld [smem:$0x3FB5]  }
0x2d: {  	s3 =	simm.s32 $0x108;
	s8 =	sld [smem:$0x3FB6]  }
0x2e: {  	s3 =	simm.s32 @!p0 $0x1082;
	s9 =	sld [smem:$0x3FB7]  }
0x2f: {  	lr =	sadd.s32 s0, s3;
	s0 =	sld [smem:$0x3FAE]  }
0x30: {  	s3 =	sld [smem:$0x3FB1]  }
0x31: {  	[smem:$0x3FBA] =	sst s10  }
0x32: {  	s10 =	sld [smem:$0x3FB8];
	_ =	sdelay $0x3  }
0x33: {  	p0 =	seq.s32 s10, $0x1;
	s10 =	sld [smem:$0x3FBA];
	_ =	sdelay $0x3  }
0x34: {  	[smem:$0x3FBA] =	sst s10  }
0x35: {  	s10 =	sld [smem:$0x3FB9];
	_ =	sdelay $0x3  }
0x36: {  	p1 =	seq.s32 s10, $0x1;
	s10 =	sld [smem:$0x3FBA];
	_ =	sdelay $0x3  }
0x37: {  	[smem:$0x3FBA] =	sst s10  }
0x38: {  	s10 =	sld [smem:$0x3FBB]  }
0x39: {  	_ = 	snop;
	(pc) =	sbr.ind lr, $3  }
0x3a: {  	_ = 	snop  }
0x3b: {  	_ = 	snop  }
0x3c: {  	p2 =	seq.s32 s10, $0x1;
	s10 =	sld [smem:$0x3FBA]  }
0x3d: {  	_ =	shalt  }
0x3e: {  	_ =	shalt  }
0x3f: {  	_ =	shalt  }
0x40: {  	_ =	shalt  }
0x41: {  	_ =	shalt  }
0x42: {  	_ =	shalt  }
0x43: {  	_ =	shalt  }
0x44: {  	_ =	shalt  }
0x45: {  	_ =	shalt  }
0x46: {  	_ =	shalt  }
0x47: {  	_ =	shalt  }
0x48: {  	_ =	shalt  }
0x49: {  	_ =	shalt  }
0x4a: {  	_ =	shalt  }
0x4b: {  	_ =	shalt  }
0x4c: {  	_ =	shalt  }
0x4d: {  	_ =	shalt  }
0x4e: {  	_ =	shalt  }
0x4f: {  	_ =	shalt  }
0x50: {  	_ =	shalt  }
0x51: {  	_ =	shalt  }
0x52: {  	_ =	shalt  }
0x53: {  	_ =	shalt  }
0x54: {  	_ =	shalt  }
0x55: {  	_ =	shalt  }
0x56: {  	_ =	shalt  }
0x57: {  	_ =	shalt  }
0x58: {  	_ =	shalt  }
0x59: {  	_ =	shalt  }
0x5a: {  	_ =	shalt  }
0x5b: {  	_ =	shalt  }
0x5c: {  	_ =	shalt  }
0x5d: {  	_ =	shalt  }
0x5e: {  	_ =	shalt  }
0x5f: {  	_ =	shalt  }
0x60: {  	_ =	shalt  }
0x61: {  	_ =	shalt  }
0x62: {  	_ =	shalt  }
0x63: {  	_ =	shalt  }
0x64: {  	_ =	shalt  }
0x65: {  	_ =	shalt  }
0x66: {  	_ =	shalt  }
0x67: {  	_ =	shalt  }
0x68: {  	_ =	shalt  }
0x69: {  	_ =	shalt  }
0x6a: {  	_ =	shalt  }
0x6b: {  	_ =	shalt  }
0x6c: {  	_ =	shalt  }
0x6d: {  	_ =	shalt  }
0x6e: {  	_ =	shalt  }
0x6f: {  	_ =	shalt  }
0x70: {  	_ =	shalt  }
0x71: {  	_ =	shalt  }
0x72: {  	_ =	shalt  }
0x73: {  	_ =	shalt  }
0x74: {  	_ =	shalt  }
0x75: {  	_ =	shalt  }
0x76: {  	_ =	shalt  }
0x77: {  	_ =	shalt  }
0x78: {  	_ =	shalt  }
0x79: {  	_ =	shalt  }
0x7a: {  	_ =	shalt  }
0x7b: {  	_ =	shalt  }
0x7c: {  	_ =	shalt  }
0x7d: {  	_ =	shalt  }
0x7e: {  	_ =	shalt  }
0x7f: {  	_ =	shalt  }
0x80: {  	_ =	shalt  }
0x81: {  	_ =	shalt  }
0x82: {  	_ =	shalt  }
0x83: {  	_ =	shalt  }
0x84: {  	_ =	shalt  }
0x85: {  	_ =	shalt  }
0x86: {  	_ =	shalt  }
0x87: {  	_ =	shalt  }
.Lfunc_end0:
.L_simem_size_0:
called_computation_lowered:
.L_overlay_start_0:
0x88: {  	s2 =	sld [smem:$0x3FD9]  }
0x89: {  	s3 =	sld [smem:$0x3FFE];
	_ =	sdelay $0x1  }
0x8a: {  	s1 =	srdreg.scid  }
0x8b: {  	s0 =	sand.u32 $0x1, s1  }
0x8c: {  	s18 =	sshll.u32 s0, $0xA;
	s2 =	sadd.s32 s3, s2  }
0x8d: {  	s2 =	sadd.s32 s2, s18  }
0x8e: {  	[smem:$0x3FC6] =	sst s2  }
0x8f: {  	_ = 	snop  }
0x90: {  	s2 =	sld [smem:$0x3FC9]  }
0x91: {  	s19 =	sld [smem:$0x3FC8]  }
0x92: {  	s4 =	sld [smem:$0x3FD0];
	(tm) =	ssettm $0x1  }
0x93: {  	s5 =	sld [smem:$0x3FFB];
	_ =	sdelay $0x3  }
0x94: {  	_ =	strace s5  }
0x95: {  	s5 =	sld [smem:$0x3FFC];
	_ =	sdelay $0x3  }
0x96: {  	_ =	strace s5  }
0x97: {  	s5 =	sld [smem:$0x3FFD];
	_ =	sdelay $0x3  }
0x98: {  	_ =	strace s5  }
0x99: {  	_ =	strace $0x8FFFFFFF  }
0x9a: {  	s20 =	sld [smem:$0x3FDB];
	_ =	sdelay $0x1  }
0x9b: {  	s6 =	simm.s32 $_scs_section_size  }
0x9c: {  	s7 =	simm.s32 $_size__tile_overlayer_lowered;
	s8 =	simm.s32 $_tile_overlayer_lowered  }
0x9d: {  	s23 =	simm.s32 $0x1BFF;
	s22 =	sshll.u32 s8, $0x1;
	s5 =	sadd.s32 s6, s20  }
0x9e: {  	s9 =	simm.s32 $0x0;
	s21 =	sshll.u32 s7, $0x1;
	s7 =	sadd.s32 s22, s5  }
0x9f: {  	[timem:s9], [sflag:s23] =	dma.local [hbm:s7], s21  }
0xa0: {  	_ =	swait.ge [sflag:s23], s21  }
0xa1: {  	s6 =	ssub.s32 $0x0, s21;
	[sflag:s23] =	ssyncset.done $0x0  }
0xa2: {  	[sflag:s23] =	ssyncadd.s32 s6;
	_ =	sdelay $0x1  }
0xa3: {  	s24 =	simm.s32 $0x1B8B  }
0xa4: {  	_ =	swait.ge [sflag:s24], $0x1  }
0xa5: {  	[sflag:s24] =	ssyncset.done $0x0  }
0xa6: {  	s25 =	simm.s32 $0x1B8E;
	[sflag:s24] =	ssyncadd.s32 $0xFFFFFFFF  }
0xa7: {  	s26 =	simm.s32 $execute0_lowered;
	[smem:$0x3FD2] =	sst s25  }
0xa8: {  	s6 =	sshll.u32 s26, $0x1;
	_ =	strace $0x80000046;
	[dreg:$0x1] =	wrdreg $0xFFFFFFFF  }
0xa9: {  	s28 =	simm.s32 $_size_execute0_lowered;
	s5 =	sadd.s32 s5, s6;
	[dreg:$0x0] =	wrdreg $0x0  }
0xaa: {  	s6 =	sshll.u32 s28, $0x1;
	[dreg:$0x2] =	wrdreg s5  }
0xab: {  	[dreg:$0x3] =	wrdreg s6  }
0xac: {  	[dreg:$0x4] =	wrdreg $0xC0  }
0xad: {  	_ =	task [dreg:s9], $0x5FFFF  }
0xae: {  	[dreg:$0x1] =	wrdreg $0xFFFFFFFF  }
0xaf: {  	[dreg:$0x0] =	wrdreg $0x60  }
0xb0: {  	[dreg:$0x2] =	wrdreg s2  }
0xb1: {  	[dreg:$0x3] =	wrdreg s19  }
0xb2: {  	[dreg:$0x4] =	wrdreg s4  }
0xb3: {  	[dreg:$0x5] =	wrdreg $0x9  }
0xb4: {  	_ =	task.clear_ibuf [dreg:s9], $0x6FFFF;
	_ =	strace $0x90000046  }
0xb5: {  	s29 =	simm.s32 $0x9;
	_ =	strace $0x80000048  }
0xb6: {  	_ =	swait.ge [sflag:s29], $0x1  }
0xb7: {  	[sflag:s29] =	ssyncadd.s32 $0xFFFFFFFF  }
0xb8: {  	_ =	strace $0x90000048  }
0xb9: {  	_ =	sfence  }
0xba: {  	s30 =	sld [smem:$0x0];
	_ =	sdelay $0x2  }
0xbb: {  	s31 =	sshll.u32 s1, $0xD;
	s1 =	sshrl.u32 s1, $0x2  }
0xbc: {  	s3 =	sand.u32 $0x4000, s31;
	s1 =	sadd.s32 s1, s30  }
0xbd: {  	s0 =	sor.u32 s3, s0;
	s1 =	sshll.u32 s1, $0x11  }
0xbe: {  	s0 =	sor.u32 s1, s0  }
0xbf: {  	s0 =	sadd.s32 $0x8F2B, s0  }
0xc0: {  	[sflag:s0] =	ssyncadd.remote.s32 $0x1  }
0xc1: {  	_ =	sfence.sel $0xFFFF  }
0xc2: {  	[dreg:$0x0] =	wrdreg $0xFFFFFFFF;
	(pc) =	sbr.abs _section_cstart, $3  }
0xc3: {  	[dreg:$0x1] =	wrdreg $0xFFFFFFFF  }
0xc4: {  	_ =	task.clear_ibuf [dreg:s9], $0x2FFFF;
	_ =	strace $0x9FFFFFFF  }
0xc5: {  	(tm) =	ssettm $0x7FFFFFFF  }
tec
execute0_lowered:
.L_overlay_start_1:
0x0: {  	(tag) =	ssettag $0x1  }
0x1: {  	s1 =	srdreg.scid  }
0x2: {  	s2 =	stileid.u32;
	s1 =	sand.u32 $0x1, s1  }
0x3: {  	s0 =	rddreg [dreg:$0x0];
	s2 =	sshll.u32 s2, $0x8;
	s3 =	sshll.u32 s1, $0x7  }
0x4: {  	s4 =	rddreg [dreg:$0x2];
	s15 =	simm.s32 $0x0;
	s2 =	sor.u32 s3, s2  }
0x5: {  	[smem:$0x7FF] =	sst s15;
	s5 =	sshll.u32 s2, $0xA  }
0x6: {  	s21 =	sshrl.u32 s2, $0x3;
	[dreg:$0x4] =	wrdreg s5  }
0x7: {  	s23 =	sadd.s32 $0x20, s4;
	_ =	strace $0x80000047;
	[dreg:$0x9] =	wrdreg s21  }
0x8: {  	s25 =	sadd.s32 $0x40, s4;
	s1 =	ssub.s32 $0x2, s1;
	[dreg:$0xb] =	wrdreg s23  }
0x9: {  	s28 =	sadd.s32 $0x60, s4;
	s16 =	sshrl.u32 s1, $0x1;
	[dreg:$0xd] =	wrdreg s25  }
0xa: {  	s17 =	ssub.s32 s1, s16;
	s5 =	sadd.s32 s0, s5;
	[dreg:$0xf] =	wrdreg s28  }
0xb: {  	s29 =	simm.s32 $0x2;
	s0 =	smax.u32 s17, $0x1;
	[dreg:$0x5] =	wrdreg s5  }
0xc: {  	s31 =	simm.s32 $0x3;
	s18 =	sadd.s32 $0x20, s5;
	[dreg:$0x11] =	wrdreg s0  }
0xd: {  	s4 =	simm.s32 $0x0;
	s19 =	sadd.s32 $0x40, s5;
	[dreg:$0x6] =	wrdreg s18  }
0xe: {  	s1 =	simm.s32 $0x5;
	s20 =	sadd.s32 $0x60, s5;
	[dreg:$0x7] =	wrdreg s19  }
0xf: {  	s2 =	simm.s32 $0x6;
	s22 =	sadd.s32 $0x2000, s5;
	[dreg:$0x8] =	wrdreg s20  }
.Ltmp0:
0x10: {  	s24 =	sadd.s32 $0x2020, s5;
	[dreg:$0xa] =	wrdreg s22;
	(pc) =	sbr.rel .LBB2_1-.Ltmp0, $4  }
0x11: {  	s26 =	sadd.s32 $0x2040, s5;
	s30 =	sadd.s32 $0x2060, s5;
	[dreg:$0xc] =	wrdreg s24  }
0x12: {  	s21 =	simm.s32 $0x400;
	s23 =	simm.s32 $0x6000;
	[dreg:$0xe] =	wrdreg s26  }
0x13: {  	s25 =	simm.s32 $0xE000;
	s0 =	simm.s32 $0x4;
	[dreg:$0x10] =	wrdreg s30  }
0x14: {  	s20 =	simm.s32 $0x100;
	s22 =	simm.s32 $0x2000;
	s24 =	simm.s32 $0xA000  }
.LBB2_12:
0x15: {  	_ =	swait.ge [sflag:s1], $0x4000  }
0x16: {  	[sflag:s1] =	ssyncset.done $0x0  }
0x17: {  	[sflag:s1] =	ssyncadd.s32 $0xFFFFC000  }
0x18: {  	_ =	swait.ge [sflag:s2], $0x4000  }
0x19: {  	s4 =	rddreg [dreg:$0x12]  }
0x1a: {  	s3 =	rddreg [dreg:$0x11];
	s4 =	sadd.s32 $0x1, s4  }
0x1b: {  	p0 =	sne.s32 s4, s3  }
.Ltmp1:
0x1c: {  	_ = 	snop;
	(pc) =	sbr.rel @!p0 .LBB2_13-.Ltmp1, $3  }
0x1d: {  	_ =	sdelay $0x1  }
0x1e: {  	[sflag:s2] =	ssyncset.done $0x0  }
0x1f: {  	[sflag:s2] =	ssyncadd.s32 $0xFFFFC000  }
.LBB2_1:
0x20: {  	[dreg:$0x12] =	wrdreg s4  }
0x21: {  	s3 =	rddreg [dreg:$0x1];
	s17 =	simm.s32 $0x0;
	s18 =	simm.s32 $0x7  }
0x22: {  	[tilespmem:s17], [sflag:$0x7] =	stream.linear.gather [hbm4b:s3+s17], $0x2000, $0x38;
	[tilespmem:$0x1A000] =	vst v63  }
0x23: {  	_ =	swait.ge [sflag:s18], $0x2000  }
0x24: {  	[sflag:s18] =	ssyncset.done $0x0  }
0x25: {  	s19 =	rddreg [dreg:$0x5];
	[sflag:s18] =	ssyncadd.s32 $0xFFFFE000  }
0x26: {  	[tilespmem:s22], [sflag:$0x1] =	stream.strided.gather [hbm4b:s19+s20], $0x4000, s21, s20, $0x38;
	[tilespmem:$0x1A000] =	vst v63  }
0x27: {  	s26 =	rddreg [dreg:$0x6]  }
0x28: {  	[tilespmem:s23], [sflag:$0x2] =	stream.strided.gather [hbm4b:s26+s20], $0x4000, s21, s20, $0x38;
	[tilespmem:$0x1A000] =	vst v63  }
0x29: {  	s28 =	rddreg [dreg:$0x7]  }
0x2a: {  	[tilespmem:s24], [sflag:$0x3] =	stream.strided.gather [hbm4b:s28+s20], $0x4000, s21, s20, $0x38;
	[tilespmem:$0x1A000] =	vst v63  }
0x2b: {  	s7 =	simm.s32 $0x0;
	s30 =	rddreg [dreg:$0x8]  }
0x2c: {  	[tilespmem:s25], [sflag:$0x4] =	stream.strided.gather [hbm4b:s30+s20], $0x4000, s21, s20, $0x38;
	[tilespmem:$0x1A000] =	vst v63  }
.LBB2_2:
0x2d: {  	s3 =	simm.s32 $0x1  }
0x2e: {  	_ =	swait.ge [sflag:s3], $0x4000  }
0x2f: {  	p1 =	seq.s32 s7, $0x0;
	[sflag:s3] =	ssyncset.done $0x0  }
0x30: {  	[sflag:s3] =	ssyncadd.s32 $0xFFFFC000;
	s3 =	simm.s32 @!p1 $0x5  }
0x31: {  	_ =	swait.ge @!p1 [sflag:s3], $0x4000  }
0x32: {  	s4 =	simm.s32 $0x0;
	[sflag:s3] =	ssyncset.done @!p1 $0x0  }
0x33: {  	s6 =	sand.u32 $0x40, s4;
	[sflag:s3] =	ssyncadd.s32 @!p1 $0xFFFFC000  }
0x34: {  	s5 =	sand.u32 $0x1F80, s4;
	s8 =	sor.u32 $0x30, s6;
	v0 =	vld [tilespmem:s4+$0x0]  }
0x35: {  	s15 =	sor.u32 s8, s5  }
0x36: {  	s9 =	sor.u32 $0x10, s6;
	v1 =	vld [tilespmem:s15+$0x0]  }
0x37: {  	s10 =	sor.u32 s9, s5  }
0x38: {  	s16 =	sor.u32 $0x20, s6;
	v2 =	vld [tilespmem:s10+$0x0]  }
0x39: {  	s5 =	sor.u32 s16, s5;
	v3 =	vshll.u32 v0, $0x1  }
0x3a: {  	v4 =	vld [tilespmem:s5+$0x0];
	v0 =	vand.u32 $0x7F, v0;
	v3 =	vand.u32 $0xFFFFFF00, v3  }
0x3b: {  	s18 =	simm.s32 $0x40;
	v0 =	vor.u32 v0, v3;
	v3 =	vshll.u32 v1, $0x1  }
0x3c: {  	s12 =	sand.u32 $0x40, s18;
	v1 =	vand.u32 $0x7F, v1;
	v3 =	vand.u32 $0xFFFFFF00, v3  }
0x3d: {  	s19 =	sand.u32 $0x1F80, s18;
	s15 =	sor.u32 $0x10, s12;
	v5 =	vshll.u32 v2, $0x1;
	v1 =	vor.u32 v1, v3;
	v3 =	vld [tilespmem:s18+$0x0]  }
0x3e: {  	s14 =	sor.u32 $0x30, s12;
	s11 =	sor.u32 s15, s19;
	v2 =	vand.u32 $0x7F, v2;
	v5 =	vand.u32 $0xFFFFFF00, v5  }
0x3f: {  	s5 =	sor.u32 s14, s19;
	v8 =	vld [tilespmem:s11+$0x0];
	v6 =	vshll.u32 v4, $0x1;
	v2 =	vor.u32 v2, v5  }
0x40: {  	v4 =	vand.u32 $0x7F, v4;
	v6 =	vand.u32 $0xFFFFFF00, v6;
	v5 =	vld [tilespmem:s5+$0x0]  }
0x41: {  	v4 =	vor.u32 v4, v6;
	s5 =	sor.u32 $0x20, s12;
	v7 =	vld.idx.msk [tilespmem:v0+s22+$0x0], $0xffff  }
0x42: {  	s10 =	sor.u32 s5, s19;
	v0 =	vor.u32 $0x80, v0;
	v6 =	vld.idx.msk [tilespmem:v1+s22+$0x0], $0xffff;
	v9 =	vshll.u32 v3, $0x1  }
0x43: {  	s4 =	sand.u32 $0x3F00, s4;
	v10 =	vld [tilespmem:s10+$0x0];
	v1 =	vor.u32 $0x80, v1;
	v3 =	vand.u32 $0x7F, v3;
	v9 =	vand.u32 $0xFFFFFF00, v9  }
0x44: {  	s26 =	sadd.s32 $0x12000, s4;
	s19 =	simm.s32 $0x80;
	v11 =	vld.idx.msk [tilespmem:v2+s22+$0x0], $0xffff;
	v3 =	vor.u32 v3, v9  }
0x45: {  	s6 =	sor.u32 s6, s26;
	v13 =	vld [tilespmem:s19+$0x0];
	v9 =	vor.u32 $0x80, v2;
	v2 =	vshll.u32 v5, $0x1  }
0x46: {  	s4 =	sor.u32 s8, s26;
	v12 =	vld.idx.msk [tilespmem:v4+s22+$0x0], $0xffff;
	v5 =	vand.u32 $0x7F, v5;
	v2 =	vand.u32 $0xFFFFFF00, v2;
	[tilespmem:s6+$0x0] =	vst v7  }
0x47: {  	p0 =	por $0x0, $0x0;
	s8 =	sshll.u32 s7, $0xD;
	s11 =	simm.s32 $0x1;
	v14 =	vor.u32 v5, v2;
	v15 =	vld.idx.msk [tilespmem:v0+s22+$0x0], $0xffff;
	[tilespmem:s4+$0x0] =	vst v6  }
0x48: {  	s9 =	sor.u32 s9, s26;
	s11 =	simm.s32 @!p0 $0x0;
	s18 =	sand.u32 $0x40, s19;
	v5 =	vld.idx.msk [tilespmem:v1+s22+$0x0], $0xffff;
	v1 =	vshll.u32 v8, $0x1  }
0x49: {  	s11 =	sshll.u32 s11, $0x6;
	s13 =	sand.u32 $0x1F80, s19;
	[tilespmem:s9+$0x0] =	vst v11;
	v6 =	vand.u32 $0x7F, v8;
	s4 =	sor.u32 $0x30, s18;
	v0 =	vand.u32 $0xFFFFFF00, v1;
	v1 =	vshll.u32 v10, $0x1;
	v2 =	vld.idx.msk [tilespmem:v3+s22+$0x0], $0xffff  }
0x4a: {  	s16 =	sor.u32 s16, s26;
	s28 =	sadd.s32 $0x0, s11;
	v7 =	vand.u32 $0x7F, v10;
	s17 =	sor.u32 s4, s13;
	v16 =	vld.idx.msk [tilespmem:v9+s22+$0x0], $0xffff;
	v1 =	vand.u32 $0xFFFFFF00, v1;
	v10 =	vor.u32 v6, v0  }
0x4b: {  	s26 =	sadd.s32 $0x30, s28;
	s3 =	sor.u32 $0x10, s18;
	s6 =	rddreg [dreg:$0x9];
	v6 =	vld [tilespmem:s17+$0x0];
	v9 =	vor.u32 v7, v1  }
0x4c: {  	v17 =	vor.u32 $0x80, v4;
	s9 =	sadd.s32 s6, s7;
	s6 =	sor.u32 $0x20, s18;
	s17 =	sor.u32 s3, s13;
	v7 =	vld.idx.msk [tilespmem:v14+s22+$0x0], $0xffff  }
0x4d: {  	s30 =	sadd.s32 $0x10, s28;
	s11 =	sor.u32 $0x80, s26;
	s13 =	sor.u32 s6, s13;
	v4 =	vld [tilespmem:s17+$0x0]  }
0x4e: {  	s26 =	sadd.s32 $0x20, s28;
	s30 =	sor.u32 $0x80, s30;
	v11 =	vor.u32 $0x80, v14;
	[tilespmem:s16+$0x0] =	vst v12;
	v8 =	vld [tilespmem:s13+$0x0];
	s17 =	simm.s32 $0x80  }
0x4f: {  	s10 =	simm.s32 $0x8;
	s16 =	sor.u32 $0x80, s28;
	v12 =	vshll.u32 v13, $0x1;
	v1 =	vor.u32 $0x80, v10;
	v0 =	vor.u32 $0x80, v9;
	s28 =	sand.u32 $0x3F00, s17;
	[tilespmem:s11+$0x12000] =	vst v5;
	v5 =	vld.idx.msk [tilespmem:v10+s22+$0x0], $0xffff  }
0x50: {  	[tilespmem:s16+$0x12000] =	vst v15;
	s13 =	simm.s32 $0xC0;
	s11 =	sor.u32 $0x80, s26;
	s28 =	sadd.s32 $0x12000, s28;
	v10 =	vand.u32 $0x7F, v13;
	v13 =	vand.u32 $0xFFFFFF00, v12;
	v12 =	vor.u32 $0x80, v3;
	v9 =	vld.idx.msk [tilespmem:v9+s22+$0x0], $0xffff  }
0x51: {  	[tilespmem:s30+$0x12000] =	vst v16;
	s30 =	sor.u32 s12, s28;
	s16 =	sor.u32 s15, s28;
	s12 =	sor.u32 s14, s28;
	v3 =	vor.u32 v10, v13;
	v13 =	vshll.u32 v6, $0x1;
	v10 =	vld.idx.msk [tilespmem:v17+s22+$0x0], $0xffff  }
.LBB2_3:
0x52: {  	s5 =	sor.u32 s5, s28;
	s14 =	smov.u32 s18  }
0x53: {  	v14 =	vld [tilespmem:s13+$0x0];
	v15 =	vshll.u32 v4, $0x1;
	v6 =	vand.u32 $0x7F, v6;
	v13 =	vand.u32 $0xFFFFFF00, v13;
	[tilespmem:s12+$0x0] =	vst v7;
	s12 =	smov.u32 s4;
	s19 =	sadd.s32 $0x40, s19;
	p0 =	por !p0, !p0  }
0x54: {  	s15 =	smov.u32 s3;
	s3 =	simm.s32 $0x1;
	s10 =	sadd.s32 $0x4, s10;
	v7 =	vand.u32 $0xFFFFFF00, v15;
	v15 =	vshll.u32 v8, $0x1;
	v13 =	vor.u32 v6, v13;
	[tilespmem:s30+$0x0] =	vst v2;
	v11 =	vld.idx.msk [tilespmem:v11+s22+$0x0], $0xffff  }
0x55: {  	v4 =	vand.u32 $0x7F, v4;
	s18 =	sand.u32 $0x40, s19;
	s28 =	sand.u32 $0x1F80, s19;
	v6 =	vand.u32 $0x7F, v8;
	s3 =	simm.s32 @!p0 $0x0;
	v8 =	vand.u32 $0xFFFFFF00, v15;
	v12 =	vld.idx.msk [tilespmem:v12+s22+$0x0], $0xffff  }
0x56: {  	p2 =	slt.u32 s10, $0x1FC;
	s4 =	sor.u32 $0x30, s18;
	v15 =	vor.u32 v4, v7;
	s3 =	sshll.u32 s3, $0x6;
	v2 =	vld.idx.msk [tilespmem:v3+s22+$0x0], $0xffff;
	v16 =	vor.u32 v6, v8;
	[tilespmem:s16+$0x0] =	vst v5  }
0x57: {  	s16 =	sor.u32 s4, s28;
	s30 =	sadd.s32 s3, s17;
	s3 =	sor.u32 $0x10, s18;
	v17 =	vor.u32 $0x80, v16;
	v18 =	vld.idx.msk [tilespmem:v1+s22+$0x0], $0xffff;
	v1 =	vor.u32 $0x80, v15;
	[tilespmem:s5+$0x0] =	vst v9  }
0x58: {  	s26 =	sor.u32 $0x20, s18;
	s5 =	sadd.s32 $0x30, s30;
	v6 =	vld [tilespmem:s16+$0x0];
	[tilespmem:s11+$0x12000] =	vst v10;
	s11 =	sor.u32 s3, s28  }
0x59: {  	s16 =	sor.u32 s26, s28;
	s5 =	sor.u32 $0x80, s5;
	s28 =	sadd.s32 $0x10, s30;
	v7 =	vld.idx.msk [tilespmem:v13+s22+$0x0], $0xffff  }
.Ltmp2:
0x5a: {  	v4 =	vld [tilespmem:s11+$0x0];
	s11 =	sor.u32 $0x80, s30;
	s30 =	sadd.s32 $0x20, s30;
	[tilespmem:s5+$0x12000] =	vst v11;
	(pc) =	sbr.rel @p2 .LBB2_3-.Ltmp2, $4  }
0x5b: {  	s17 =	sadd.s32 $0x80, s17;
	v5 =	vshll.u32 v14, $0x1;
	v11 =	vor.u32 $0x80, v13;
	v8 =	vld [tilespmem:s16+$0x0];
	[tilespmem:s11+$0x12000] =	vst v12;
	s16 =	sor.u32 $0x80, s28;
	s11 =	sor.u32 $0x80, s30  }
0x5c: {  	v9 =	vand.u32 $0x7F, v14;
	v10 =	vand.u32 $0xFFFFFF00, v5;
	s5 =	smov.u32 s6;
	s6 =	smov.u32 s26;
	s28 =	sand.u32 $0x3F00, s17;
	v12 =	vor.u32 $0x80, v3;
	v5 =	vld.idx.msk [tilespmem:v15+s22+$0x0], $0xffff  }
0x5d: {  	s13 =	sadd.s32 $0x40, s13;
	v3 =	vor.u32 v9, v10;
	s28 =	sadd.s32 $0x12000, s28;
	v9 =	vld.idx.msk [tilespmem:v16+s22+$0x0], $0xffff;
	[tilespmem:s16+$0x12000] =	vst v18  }
0x5e: {  	v13 =	vshll.u32 v6, $0x1;
	s30 =	sor.u32 s14, s28;
	s16 =	sor.u32 s15, s28;
	s12 =	sor.u32 s12, s28;
	v10 =	vld.idx.msk [tilespmem:v0+s22+$0x0], $0xffff;
	v0 =	vmov v17  }
0x5f: {  	v6 =	vand.u32 $0x7F, v6  }
0x60: {  	v13 =	vand.u32 $0xFFFFFF00, v13;
	v14 =	vshll.u32 v4, $0x1;
	v4 =	vand.u32 $0x7F, v4  }
0x61: {  	v6 =	vor.u32 v6, v13;
	v13 =	vand.u32 $0xFFFFFF00, v14;
	v14 =	vshll.u32 v8, $0x1  }
0x62: {  	[tilespmem:s12+$0x0] =	vst v7;
	p0 =	por !p0, !p0;
	s10 =	simm.s32 $0x1;
	v7 =	vand.u32 $0x7F, v8;
	v8 =	vand.u32 $0xFFFFFF00, v14;
	v4 =	vor.u32 v4, v13  }
0x63: {  	[tilespmem:s30+$0x0] =	vst v2;
	v2 =	vld.idx.msk [tilespmem:v11+s22+$0x0], $0xffff;
	s10 =	simm.s32 @!p0 $0x0;
	v7 =	vor.u32 v7, v8  }
0x64: {  	v11 =	vld.idx.msk [tilespmem:v3+s22+$0x0], $0xffff;
	s10 =	sshll.u32 s10, $0x6  }
0x65: {  	s5 =	sor.u32 s5, s28;
	[tilespmem:s16+$0x0] =	vst v5;
	s16 =	sadd.s32 $0x80, s17;
	v8 =	vld.idx.msk [tilespmem:v12+s22+$0x0], $0xffff;
	s10 =	sadd.s32 s10, s17  }
0x66: {  	v3 =	vor.u32 $0x80, v3;
	[tilespmem:s5+$0x0] =	vst v9;
	s17 =	sand.u32 $0x3F00, s16;
	s15 =	sadd.s32 $0x30, s10;
	v5 =	vld.idx.msk [tilespmem:v6+s22+$0x0], $0xffff  }
0x67: {  	[tilespmem:s11+$0x12000] =	vst v10;
	s19 =	sadd.s32 $0x12000, s17;
	s5 =	sor.u32 $0x80, s15;
	v6 =	vor.u32 $0x80, v6;
	v9 =	vld.idx.msk [tilespmem:v4+s22+$0x0], $0xffff  }
0x68: {  	s11 =	sor.u32 s18, s19;
	[tilespmem:s5+$0x12000] =	vst v2;
	v4 =	vor.u32 $0x80, v4;
	v2 =	vld.idx.msk [tilespmem:v7+s22+$0x0], $0xffff  }
0x69: {  	v1 =	vld.idx.msk [tilespmem:v1+s22+$0x0], $0xffff;
	s13 =	sor.u32 $0x80, s10;
	[tilespmem:s11+$0x0] =	vst v11;
	v7 =	vor.u32 $0x80, v7  }
0x6a: {  	v0 =	vld.idx.msk [tilespmem:v0+s22+$0x0], $0xffff;
	s4 =	sor.u32 s4, s19;
	[tilespmem:s13+$0x12000] =	vst v8  }
0x6b: {  	p0 =	por !p0, !p0;
	s3 =	sor.u32 s3, s19;
	v3 =	vld.idx.msk [tilespmem:v3+s22+$0x0], $0xffff;
	[tilespmem:s4+$0x0] =	vst v5;
	s4 =	simm.s32 $0x1  }
0x6c: {  	s26 =	sadd.s32 $0x10, s10;
	s5 =	sor.u32 s6, s19;
	v5 =	vld.idx.msk [tilespmem:v6+s22+$0x0], $0xffff;
	s4 =	simm.s32 @!p0 $0x0;
	[tilespmem:s3+$0x0] =	vst v9  }
0x6d: {  	s10 =	sadd.s32 $0x20, s10;
	s13 =	sor.u32 $0x80, s26;
	s4 =	sshll.u32 s4, $0x6;
	v4 =	vld.idx.msk [tilespmem:v4+s22+$0x0], $0xffff;
	[tilespmem:s5+$0x0] =	vst v2  }
0x6e: {  	[tilespmem:s13+$0x12000] =	vst v1;
	s3 =	sor.u32 $0x80, s10;
	s4 =	sadd.s32 s4, s16;
	v1 =	vld.idx.msk [tilespmem:v7+s22+$0x0], $0xffff  }
0x6f: {  	[tilespmem:s3+$0x12000] =	vst v0;
	s14 =	sadd.s32 $0x30, s4;
	s16 =	sor.u32 $0x80, s4  }
0x70: {  	s17 =	sadd.s32 $0x10, s4;
	s15 =	sor.u32 $0x80, s14;
	[tilespmem:s16+$0x12000] =	vst v3  }
0x71: {  	s18 =	sadd.s32 $0x20, s4;
	s19 =	sor.u32 $0x80, s17;
	[tilespmem:s15+$0x12000] =	vst v5  }
0x72: {  	s26 =	sshll.u32 s9, $0xD;
	s5 =	rddreg [dreg:$0x2];
	s3 =	sor.u32 $0x80, s18;
	[tilespmem:s19+$0x12000] =	vst v4  }
0x73: {  	s6 =	simm.s32 $0x12000;
	p0 =	seq.s32 s7, $0xF;
	[tilespmem:s3+$0x12000] =	vst v1;
	s3 =	sadd.s32 s5, s26  }
0x74: {  	[hbm4b:s3+s20] =	stream.strided.scatter [tilespmem:s6], [sflag:$0x5], $0x4000, s21, s20, $0x38;
	[tilespmem:$0x1A000] =	vst v63  }
0x75: {  	s4 =	simm.s32 @!p0 $0x100;
	s3 =	rddreg [dreg:$0xa]  }
0x76: {  	s5 =	simm.s32 @!p0 $0x400;
	s6 =	simm.s32 @!p0 $0x2000;
	s3 =	sadd.s32 @!p0 s8, s3  }
0x77: {  	[tilespmem:s6], [sflag:$0x1] =	stream.strided.gather @!p0 [hbm4b:s3+s4], $0x4000, s5, s4, $0x38;
	[tilespmem:$0x1A000] =	vst v63  }
0x78: {  	_ =	swait.ge [sflag:s29], $0x4000  }
0x79: {  	[sflag:s29] =	ssyncset.done $0x0  }
0x7a: {  	s3 =	simm.s32 @!p1 $0x6;
	[sflag:s29] =	ssyncadd.s32 $0xFFFFC000  }
0x7b: {  	_ =	swait.ge @!p1 [sflag:s3], $0x4000  }
0x7c: {  	s4 =	simm.s32 $0x0;
	[sflag:s3] =	ssyncset.done @!p1 $0x0  }
0x7d: {  	s6 =	sand.u32 $0x40, s4;
	[sflag:s3] =	ssyncadd.s32 @!p1 $0xFFFFC000  }
0x7e: {  	s9 =	sand.u32 $0x1F80, s4;
	s10 =	sor.u32 $0x30, s6;
	v0 =	vld [tilespmem:s4+$0x0]  }
0x7f: {  	s15 =	sor.u32 s10, s9  }
0x80: {  	s16 =	sor.u32 $0x10, s6;
	v1 =	vld [tilespmem:s15+$0x0]  }
0x81: {  	s17 =	sor.u32 s16, s9  }
0x82: {  	s3 =	sor.u32 $0x20, s6;
	v2 =	vld [tilespmem:s17+$0x0]  }
0x83: {  	s5 =	sor.u32 s3, s9;
	v3 =	vshll.u32 v0, $0x1  }
0x84: {  	v4 =	vld [tilespmem:s5+$0x0];
	v0 =	vand.u32 $0x7F, v0;
	v3 =	vand.u32 $0xFFFFFF00, v3  }
0x85: {  	s18 =	simm.s32 $0x40;
	v0 =	vor.u32 v0, v3;
	v3 =	vshll.u32 v1, $0x1  }
0x86: {  	s13 =	sand.u32 $0x40, s18;
	v1 =	vand.u32 $0x7F, v1;
	v3 =	vand.u32 $0xFFFFFF00, v3  }
0x87: {  	s19 =	sand.u32 $0x1F80, s18;
	s15 =	sor.u32 $0x10, s13;
	v5 =	vshll.u32 v2, $0x1;
	v1 =	vor.u32 v1, v3;
	v3 =	vld [tilespmem:s18+$0x0]  }
0x88: {  	s14 =	sor.u32 $0x30, s13;
	s26 =	sor.u32 s15, s19;
	v2 =	vand.u32 $0x7F, v2;
	v5 =	vand.u32 $0xFFFFFF00, v5  }
0x89: {  	s5 =	sor.u32 s14, s19;
	v8 =	vld [tilespmem:s26+$0x0];
	v6 =	vshll.u32 v4, $0x1;
	v2 =	vor.u32 v2, v5  }
0x8a: {  	v4 =	vand.u32 $0x7F, v4;
	v6 =	vand.u32 $0xFFFFFF00, v6;
	v5 =	vld [tilespmem:s5+$0x0]  }
0x8b: {  	s5 =	sor.u32 $0x20, s13;
	v4 =	vor.u32 v4, v6;
	v7 =	vld.idx.msk [tilespmem:v0+s23+$0x0], $0xffff  }
0x8c: {  	s11 =	sor.u32 s5, s19;
	v0 =	vor.u32 $0x80, v0;
	v6 =	vld.idx.msk [tilespmem:v1+s23+$0x0], $0xffff;
	v9 =	vshll.u32 v3, $0x1  }
0x8d: {  	s4 =	sand.u32 $0x3F00, s4;
	v10 =	vld [tilespmem:s11+$0x0];
	v1 =	vor.u32 $0x80, v1;
	v3 =	vand.u32 $0x7F, v3;
	v9 =	vand.u32 $0xFFFFFF00, v9  }
0x8e: {  	s19 =	simm.s32 $0x80;
	s11 =	sadd.s32 $0x16000, s4;
	v11 =	vld.idx.msk [tilespmem:v2+s23+$0x0], $0xffff;
	v3 =	vor.u32 v3, v9  }
0x8f: {  	v13 =	vld [tilespmem:s19+$0x0];
	s6 =	sor.u32 s6, s11;
	v9 =	vor.u32 $0x80, v2;
	v2 =	vshll.u32 v5, $0x1  }
0x90: {  	s4 =	sor.u32 s10, s11;
	v12 =	vld.idx.msk [tilespmem:v4+s23+$0x0], $0xffff;
	v5 =	vand.u32 $0x7F, v5;
	v2 =	vand.u32 $0xFFFFFF00, v2;
	[tilespmem:s6+$0x0] =	vst v7  }
0x91: {  	p1 =	por $0x0, $0x0;
	s10 =	simm.s32 $0x1;
	v14 =	vor.u32 v5, v2;
	v15 =	vld.idx.msk [tilespmem:v0+s23+$0x0], $0xffff;
	[tilespmem:s4+$0x0] =	vst v6  }
0x92: {  	s18 =	sand.u32 $0x40, s19;
	s16 =	sor.u32 s16, s11;
	s10 =	simm.s32 @!p1 $0x0;
	v5 =	vld.idx.msk [tilespmem:v1+s23+$0x0], $0xffff;
	v1 =	vshll.u32 v8, $0x1  }
0x93: {  	s12 =	sand.u32 $0x1F80, s19;
	s17 =	sshll.u32 s10, $0x6;
	[tilespmem:s16+$0x0] =	vst v11;
	v6 =	vand.u32 $0x7F, v8;
	s4 =	sor.u32 $0x30, s18;
	v0 =	vand.u32 $0xFFFFFF00, v1;
	v1 =	vshll.u32 v10, $0x1;
	v2 =	vld.idx.msk [tilespmem:v3+s23+$0x0], $0xffff  }
0x94: {  	s11 =	sor.u32 s3, s11;
	v7 =	vand.u32 $0x7F, v10;
	s16 =	sadd.s32 $0x0, s17;
	s26 =	sor.u32 s4, s12;
	v16 =	vld.idx.msk [tilespmem:v9+s23+$0x0], $0xffff;
	v1 =	vand.u32 $0xFFFFFF00, v1;
	v10 =	vor.u32 v6, v0  }
0x95: {  	s3 =	sor.u32 $0x10, s18;
	s17 =	sadd.s32 $0x30, s16;
	s6 =	rddreg [dreg:$0x4];
	v6 =	vld [tilespmem:s26+$0x0];
	v9 =	vor.u32 v7, v1  }
0x96: {  	v17 =	vor.u32 $0x80, v4;
	s9 =	sor.u32 s6, s8;
	s6 =	sor.u32 $0x20, s18;
	s26 =	sor.u32 s3, s12;
	v7 =	vld.idx.msk [tilespmem:v14+s23+$0x0], $0xffff  }
0x97: {  	s10 =	simm.s32 $0x8;
	s28 =	sor.u32 $0x80, s17;
	s12 =	sor.u32 s6, s12;
	v4 =	vld [tilespmem:s26+$0x0]  }
0x98: {  	s17 =	simm.s32 $0x80;
	v11 =	vor.u32 $0x80, v14;
	[tilespmem:s11+$0x0] =	vst v12;
	s11 =	sor.u32 $0x80, s16;
	s26 =	sadd.s32 $0x10, s16;
	v8 =	vld [tilespmem:s12+$0x0]  }
0x99: {  	v12 =	vshll.u32 v13, $0x1;
	v1 =	vor.u32 $0x80, v10;
	s12 =	sadd.s32 $0x20, s16;
	v0 =	vor.u32 $0x80, v9;
	s16 =	sor.u32 $0x80, s26;
	s26 =	sand.u32 $0x3F00, s17;
	[tilespmem:s28+$0x16000] =	vst v5;
	v5 =	vld.idx.msk [tilespmem:v10+s23+$0x0], $0xffff  }
0x9a: {  	[tilespmem:s11+$0x16000] =	vst v15;
	s11 =	sor.u32 $0x80, s12;
	s12 =	simm.s32 $0xC0;
	s28 =	sadd.s32 $0x16000, s26;
	v10 =	vand.u32 $0x7F, v13;
	v13 =	vand.u32 $0xFFFFFF00, v12;
	v12 =	vor.u32 $0x80, v3;
	v9 =	vld.idx.msk [tilespmem:v9+s23+$0x0], $0xffff  }
0x9b: {  	[tilespmem:s16+$0x16000] =	vst v16;
	s30 =	sor.u32 s13, s28;
	s16 =	sor.u32 s15, s28;
	s13 =	sor.u32 s14, s28;
	v3 =	vor.u32 v10, v13;
	v13 =	vshll.u32 v6, $0x1;
	v10 =	vld.idx.msk [tilespmem:v17+s23+$0x0], $0xffff  }
.LBB2_5:
0x9c: {  	s5 =	sor.u32 s5, s28;
	s14 =	smov.u32 s18  }
0x9d: {  	v14 =	vld [tilespmem:s12+$0x0];
	v15 =	vshll.u32 v4, $0x1;
	v6 =	vand.u32 $0x7F, v6;
	v13 =	vand.u32 $0xFFFFFF00, v13;
	[tilespmem:s13+$0x0] =	vst v7;
	s13 =	smov.u32 s4;
	s19 =	sadd.s32 $0x40, s19;
	p1 =	por !p1, !p1  }
0x9e: {  	s15 =	smov.u32 s3;
	s3 =	simm.s32 $0x1;
	s10 =	sadd.s32 $0x4, s10;
	v7 =	vand.u32 $0xFFFFFF00, v15;
	v15 =	vshll.u32 v8, $0x1;
	v13 =	vor.u32 v6, v13;
	[tilespmem:s30+$0x0] =	vst v2;
	v11 =	vld.idx.msk [tilespmem:v11+s23+$0x0], $0xffff  }
0x9f: {  	v4 =	vand.u32 $0x7F, v4;
	s18 =	sand.u32 $0x40, s19;
	s26 =	sand.u32 $0x1F80, s19;
	v6 =	vand.u32 $0x7F, v8;
	s3 =	simm.s32 @!p1 $0x0;
	v8 =	vand.u32 $0xFFFFFF00, v15;
	v12 =	vld.idx.msk [tilespmem:v12+s23+$0x0], $0xffff  }
0xa0: {  	p2 =	slt.u32 s10, $0x1FC;
	s4 =	sor.u32 $0x30, s18;
	v15 =	vor.u32 v4, v7;
	s3 =	sshll.u32 s3, $0x6;
	v2 =	vld.idx.msk [tilespmem:v3+s23+$0x0], $0xffff;
	v16 =	vor.u32 v6, v8;
	[tilespmem:s16+$0x0] =	vst v5  }
0xa1: {  	s16 =	sor.u32 s4, s26;
	s28 =	sadd.s32 s3, s17;
	s3 =	sor.u32 $0x10, s18;
	v17 =	vor.u32 $0x80, v16;
	v18 =	vld.idx.msk [tilespmem:v1+s23+$0x0], $0xffff;
	v1 =	vor.u32 $0x80, v15;
	[tilespmem:s5+$0x0] =	vst v9  }
0xa2: {  	s30 =	sor.u32 $0x20, s18;
	s5 =	sadd.s32 $0x30, s28;
	v6 =	vld [tilespmem:s16+$0x0];
	[tilespmem:s11+$0x16000] =	vst v10;
	s11 =	sor.u32 s3, s26  }
0xa3: {  	s16 =	sor.u32 s30, s26;
	s5 =	sor.u32 $0x80, s5;
	s26 =	sadd.s32 $0x10, s28;
	v7 =	vld.idx.msk [tilespmem:v13+s23+$0x0], $0xffff  }
.Ltmp3:
0xa4: {  	v4 =	vld [tilespmem:s11+$0x0];
	s11 =	sor.u32 $0x80, s28;
	s28 =	sadd.s32 $0x20, s28;
	[tilespmem:s5+$0x16000] =	vst v11;
	(pc) =	sbr.rel @p2 .LBB2_5-.Ltmp3, $4  }
0xa5: {  	s17 =	sadd.s32 $0x80, s17;
	v5 =	vshll.u32 v14, $0x1;
	v11 =	vor.u32 $0x80, v13;
	v8 =	vld [tilespmem:s16+$0x0];
	[tilespmem:s11+$0x16000] =	vst v12;
	s16 =	sor.u32 $0x80, s26;
	s11 =	sor.u32 $0x80, s28  }
0xa6: {  	v9 =	vand.u32 $0x7F, v14;
	v10 =	vand.u32 $0xFFFFFF00, v5;
	s5 =	smov.u32 s6;
	s6 =	smov.u32 s30;
	s26 =	sand.u32 $0x3F00, s17;
	v12 =	vor.u32 $0x80, v3;
	v5 =	vld.idx.msk [tilespmem:v15+s23+$0x0], $0xffff  }
0xa7: {  	s12 =	sadd.s32 $0x40, s12;
	v3 =	vor.u32 v9, v10;
	s28 =	sadd.s32 $0x16000, s26;
	v9 =	vld.idx.msk [tilespmem:v16+s23+$0x0], $0xffff;
	[tilespmem:s16+$0x16000] =	vst v18  }
0xa8: {  	v13 =	vshll.u32 v6, $0x1;
	s30 =	sor.u32 s14, s28;
	s16 =	sor.u32 s15, s28;
	s13 =	sor.u32 s13, s28;
	v10 =	vld.idx.msk [tilespmem:v0+s23+$0x0], $0xffff;
	v0 =	vmov v17  }
0xa9: {  	v6 =	vand.u32 $0x7F, v6  }
0xaa: {  	v13 =	vand.u32 $0xFFFFFF00, v13;
	v14 =	vshll.u32 v4, $0x1;
	v4 =	vand.u32 $0x7F, v4  }
0xab: {  	v6 =	vor.u32 v6, v13;
	v13 =	vand.u32 $0xFFFFFF00, v14;
	v14 =	vshll.u32 v8, $0x1  }
0xac: {  	[tilespmem:s13+$0x0] =	vst v7;
	p1 =	por !p1, !p1;
	s10 =	simm.s32 $0x1;
	v7 =	vand.u32 $0x7F, v8;
	v8 =	vand.u32 $0xFFFFFF00, v14;
	v4 =	vor.u32 v4, v13  }
0xad: {  	[tilespmem:s30+$0x0] =	vst v2;
	v2 =	vld.idx.msk [tilespmem:v11+s23+$0x0], $0xffff;
	s10 =	simm.s32 @!p1 $0x0;
	v7 =	vor.u32 v7, v8  }
0xae: {  	v11 =	vld.idx.msk [tilespmem:v3+s23+$0x0], $0xffff;
	s10 =	sshll.u32 s10, $0x6  }
0xaf: {  	s5 =	sor.u32 s5, s28;
	s12 =	sadd.s32 $0x80, s17;
	[tilespmem:s16+$0x0] =	vst v5;
	v8 =	vld.idx.msk [tilespmem:v12+s23+$0x0], $0xffff;
	s10 =	sadd.s32 s10, s17  }
0xb0: {  	s14 =	sand.u32 $0x3F00, s12;
	v3 =	vor.u32 $0x80, v3;
	[tilespmem:s5+$0x0] =	vst v9;
	s13 =	sadd.s32 $0x30, s10;
	v5 =	vld.idx.msk [tilespmem:v6+s23+$0x0], $0xffff  }
0xb1: {  	s16 =	sadd.s32 $0x16000, s14;
	[tilespmem:s11+$0x16000] =	vst v10;
	s5 =	sor.u32 $0x80, s13;
	v6 =	vor.u32 $0x80, v6;
	v9 =	vld.idx.msk [tilespmem:v4+s23+$0x0], $0xffff  }
0xb2: {  	s11 =	sor.u32 s18, s16;
	[tilespmem:s5+$0x16000] =	vst v2;
	v4 =	vor.u32 $0x80, v4;
	v2 =	vld.idx.msk [tilespmem:v7+s23+$0x0], $0xffff  }
0xb3: {  	v1 =	vld.idx.msk [tilespmem:v1+s23+$0x0], $0xffff;
	s15 =	sor.u32 $0x80, s10;
	[tilespmem:s11+$0x0] =	vst v11;
	v7 =	vor.u32 $0x80, v7  }
0xb4: {  	s4 =	sor.u32 s4, s16;
	v0 =	vld.idx.msk [tilespmem:v0+s23+$0x0], $0xffff;
	[tilespmem:s15+$0x16000] =	vst v8  }
0xb5: {  	p1 =	por !p1, !p1;
	s3 =	sor.u32 s3, s16;
	v3 =	vld.idx.msk [tilespmem:v3+s23+$0x0], $0xffff;
	[tilespmem:s4+$0x0] =	vst v5;
	s4 =	simm.s32 $0x1  }
0xb6: {  	s17 =	sadd.s32 $0x10, s10;
	s5 =	sor.u32 s6, s16;
	v5 =	vld.idx.msk [tilespmem:v6+s23+$0x0], $0xffff;
	s4 =	simm.s32 @!p1 $0x0;
	[tilespmem:s3+$0x0] =	vst v9  }
0xb7: {  	s18 =	sadd.s32 $0x20, s10;
	s19 =	sor.u32 $0x80, s17;
	s4 =	sshll.u32 s4, $0x6;
	v4 =	vld.idx.msk [tilespmem:v4+s23+$0x0], $0xffff;
	[tilespmem:s5+$0x0] =	vst v2  }
0xb8: {  	[tilespmem:s19+$0x16000] =	vst v1;
	s3 =	sor.u32 $0x80, s18;
	s4 =	sadd.s32 s4, s12;
	v1 =	vld.idx.msk [tilespmem:v7+s23+$0x0], $0xffff  }
0xb9: {  	[tilespmem:s3+$0x16000] =	vst v0;
	s26 =	sadd.s32 $0x30, s4;
	s10 =	sor.u32 $0x80, s4  }
0xba: {  	s11 =	sadd.s32 $0x10, s4;
	s6 =	sor.u32 $0x80, s26;
	[tilespmem:s10+$0x16000] =	vst v3  }
0xbb: {  	s12 =	sadd.s32 $0x20, s4;
	s13 =	sor.u32 $0x80, s11;
	[tilespmem:s6+$0x16000] =	vst v5  }
0xbc: {  	s3 =	sor.u32 $0x80, s12;
	[tilespmem:s13+$0x16000] =	vst v4  }
0xbd: {  	[tilespmem:s3+$0x16000] =	vst v1  }
0xbe: {  	s3 =	rddreg [dreg:$0xb]  }
0xbf: {  	s14 =	simm.s32 $0x16000;
	s3 =	sadd.s32 s9, s3  }
0xc0: {  	[hbm4b:s3+s20] =	stream.strided.scatter [tilespmem:s14], [sflag:$0x6], $0x4000, s21, s20, $0x38;
	[tilespmem:$0x1A000] =	vst v63  }
0xc1: {  	s5 =	simm.s32 @!p0 $0x400;
	s3 =	rddreg [dreg:$0xc]  }
0xc2: {  	s4 =	simm.s32 @!p0 $0x100;
	s6 =	simm.s32 @!p0 $0x6000;
	s3 =	sadd.s32 @!p0 s8, s3  }
0xc3: {  	[tilespmem:s6], [sflag:$0x2] =	stream.strided.gather @!p0 [hbm4b:s3+s4], $0x4000, s5, s4, $0x38;
	[tilespmem:$0x1A000] =	vst v63  }
0xc4: {  	_ =	swait.ge [sflag:s31], $0x4000  }
0xc5: {  	[sflag:s31] =	ssyncset.done $0x0  }
0xc6: {  	[sflag:s31] =	ssyncadd.s32 $0xFFFFC000  }
0xc7: {  	_ =	swait.ge [sflag:s1], $0x4000  }
0xc8: {  	s4 =	simm.s32 $0x0;
	[sflag:s1] =	ssyncset.done $0x0  }
0xc9: {  	s6 =	sand.u32 $0x40, s4;
	[sflag:s1] =	ssyncadd.s32 $0xFFFFC000  }
0xca: {  	s15 =	sand.u32 $0x1F80, s4;
	s10 =	sor.u32 $0x30, s6;
	v0 =	vld [tilespmem:s4+$0x0]  }
0xcb: {  	s16 =	sor.u32 s10, s15  }
0xcc: {  	s11 =	sor.u32 $0x10, s6;
	v1 =	vld [tilespmem:s16+$0x0]  }
0xcd: {  	s17 =	sor.u32 s11, s15  }
0xce: {  	s3 =	sor.u32 $0x20, s6;
	v2 =	vld [tilespmem:s17+$0x0]  }
0xcf: {  	s5 =	sor.u32 s3, s15;
	v3 =	vshll.u32 v0, $0x1  }
0xd0: {  	v4 =	vld [tilespmem:s5+$0x0];
	v0 =	vand.u32 $0x7F, v0;
	v3 =	vand.u32 $0xFFFFFF00, v3  }
0xd1: {  	s18 =	simm.s32 $0x40;
	v0 =	vor.u32 v0, v3;
	v3 =	vshll.u32 v1, $0x1  }
0xd2: {  	s13 =	sand.u32 $0x40, s18;
	v1 =	vand.u32 $0x7F, v1;
	v3 =	vand.u32 $0xFFFFFF00, v3  }
0xd3: {  	s19 =	sand.u32 $0x1F80, s18;
	s15 =	sor.u32 $0x10, s13;
	v5 =	vshll.u32 v2, $0x1;
	v1 =	vor.u32 v1, v3;
	v3 =	vld [tilespmem:s18+$0x0]  }
0xd4: {  	s14 =	sor.u32 $0x30, s13;
	s26 =	sor.u32 s15, s19;
	v2 =	vand.u32 $0x7F, v2;
	v5 =	vand.u32 $0xFFFFFF00, v5  }
0xd5: {  	s5 =	sor.u32 s14, s19;
	v8 =	vld [tilespmem:s26+$0x0];
	v6 =	vshll.u32 v4, $0x1;
	v2 =	vor.u32 v2, v5  }
0xd6: {  	v4 =	vand.u32 $0x7F, v4;
	v6 =	vand.u32 $0xFFFFFF00, v6;
	v5 =	vld [tilespmem:s5+$0x0]  }
0xd7: {  	v4 =	vor.u32 v4, v6;
	s5 =	sor.u32 $0x20, s13;
	v7 =	vld.idx.msk [tilespmem:v0+s24+$0x0], $0xffff  }
0xd8: {  	s12 =	sor.u32 s5, s19;
	v0 =	vor.u32 $0x80, v0;
	v6 =	vld.idx.msk [tilespmem:v1+s24+$0x0], $0xffff;
	v9 =	vshll.u32 v3, $0x1  }
0xd9: {  	s4 =	sand.u32 $0x3F00, s4;
	v10 =	vld [tilespmem:s12+$0x0];
	v1 =	vor.u32 $0x80, v1;
	v3 =	vand.u32 $0x7F, v3;
	v9 =	vand.u32 $0xFFFFFF00, v9  }
0xda: {  	s12 =	sadd.s32 $0x12000, s4;
	s4 =	simm.s32 $0x80;
	v11 =	vld.idx.msk [tilespmem:v2+s24+$0x0], $0xffff;
	v3 =	vor.u32 v3, v9  }
0xdb: {  	s6 =	sor.u32 s6, s12;
	v13 =	vld [tilespmem:s4+$0x0];
	v9 =	vor.u32 $0x80, v2;
	v2 =	vshll.u32 v5, $0x1  }
0xdc: {  	s10 =	sor.u32 s10, s12;
	v12 =	vld.idx.msk [tilespmem:v4+s24+$0x0], $0xffff;
	v5 =	vand.u32 $0x7F, v5;
	v2 =	vand.u32 $0xFFFFFF00, v2;
	[tilespmem:s6+$0x0] =	vst v7  }
0xdd: {  	v14 =	vor.u32 v5, v2;
	v15 =	vld.idx.msk [tilespmem:v0+s24+$0x0], $0xffff;
	[tilespmem:s10+$0x0] =	vst v6  }
0xde: {  	p1 =	por $0x0, $0x0;
	s16 =	sor.u32 s11, s12;
	s18 =	sand.u32 $0x40, s4;
	v5 =	vld.idx.msk [tilespmem:v1+s24+$0x0], $0xffff;
	v1 =	vshll.u32 v8, $0x1  }
0xdf: {  	s11 =	sand.u32 $0x1F80, s4;
	s19 =	sor.u32 $0x30, s18;
	[tilespmem:s16+$0x0] =	vst v11;
	s10 =	simm.s32 $0x1;
	v6 =	vand.u32 $0x7F, v8;
	v0 =	vand.u32 $0xFFFFFF00, v1;
	v1 =	vshll.u32 v10, $0x1;
	v2 =	vld.idx.msk [tilespmem:v3+s24+$0x0], $0xffff  }
0xe0: {  	s12 =	sor.u32 s3, s12;
	s26 =	sor.u32 s19, s11;
	v7 =	vand.u32 $0x7F, v10;
	s10 =	simm.s32 @!p1 $0x0;
	v16 =	vld.idx.msk [tilespmem:v9+s24+$0x0], $0xffff;
	v1 =	vand.u32 $0xFFFFFF00, v1;
	v10 =	vor.u32 v6, v0  }
0xe1: {  	s3 =	sor.u32 $0x10, s18;
	s6 =	sor.u32 $0x20, s18;
	s17 =	sshll.u32 s10, $0x6;
	v6 =	vld [tilespmem:s26+$0x0];
	v9 =	vor.u32 v7, v1  }
0xe2: {  	v17 =	vor.u32 $0x80, v4;
	s10 =	simm.s32 $0x8;
	s16 =	sadd.s32 $0x0, s17;
	s26 =	sor.u32 s3, s11;
	v7 =	vld.idx.msk [tilespmem:v14+s24+$0x0], $0xffff  }
0xe3: {  	[tilespmem:s12+$0x0] =	vst v12;
	s11 =	sor.u32 s6, s11;
	s17 =	sadd.s32 $0x30, s16;
	v4 =	vld [tilespmem:s26+$0x0];
	s12 =	sor.u32 $0x80, s16  }
0xe4: {  	v12 =	vshll.u32 v13, $0x1;
	s26 =	sadd.s32 $0x10, s16;
	v8 =	vld [tilespmem:s11+$0x0];
	s28 =	sor.u32 $0x80, s17;
	s17 =	simm.s32 $0x80  }
0xe5: {  	v11 =	vor.u32 $0x80, v14;
	v1 =	vor.u32 $0x80, v10;
	s11 =	sadd.s32 $0x20, s16;
	v0 =	vor.u32 $0x80, v9;
	s16 =	sor.u32 $0x80, s26;
	[tilespmem:s28+$0x12000] =	vst v5;
	s26 =	sand.u32 $0x3F00, s17;
	v5 =	vld.idx.msk [tilespmem:v10+s24+$0x0], $0xffff  }
0xe6: {  	[tilespmem:s12+$0x12000] =	vst v15;
	s11 =	sor.u32 $0x80, s11;
	s12 =	simm.s32 $0xC0;
	s28 =	sadd.s32 $0x12000, s26;
	v10 =	vand.u32 $0x7F, v13;
	v13 =	vand.u32 $0xFFFFFF00, v12;
	v12 =	vor.u32 $0x80, v3;
	v9 =	vld.idx.msk [tilespmem:v9+s24+$0x0], $0xffff  }
0xe7: {  	[tilespmem:s16+$0x12000] =	vst v16;
	s30 =	sor.u32 s13, s28;
	s16 =	sor.u32 s15, s28;
	s13 =	sor.u32 s14, s28;
	v3 =	vor.u32 v10, v13;
	v13 =	vshll.u32 v6, $0x1;
	v10 =	vld.idx.msk [tilespmem:v17+s24+$0x0], $0xffff  }
.LBB2_7:
0xe8: {  	s5 =	sor.u32 s5, s28;
	s14 =	smov.u32 s18  }
0xe9: {  	v14 =	vld [tilespmem:s12+$0x0];
	v15 =	vshll.u32 v4, $0x1;
	v6 =	vand.u32 $0x7F, v6;
	v13 =	vand.u32 $0xFFFFFF00, v13;
	[tilespmem:s13+$0x0] =	vst v7;
	s13 =	smov.u32 s19;
	s4 =	sadd.s32 $0x40, s4;
	p1 =	por !p1, !p1  }
0xea: {  	s15 =	smov.u32 s3;
	s3 =	simm.s32 $0x1;
	s10 =	sadd.s32 $0x4, s10;
	v7 =	vand.u32 $0xFFFFFF00, v15;
	v15 =	vshll.u32 v8, $0x1;
	v13 =	vor.u32 v6, v13;
	[tilespmem:s30+$0x0] =	vst v2;
	v11 =	vld.idx.msk [tilespmem:v11+s24+$0x0], $0xffff  }
0xeb: {  	v4 =	vand.u32 $0x7F, v4;
	s18 =	sand.u32 $0x40, s4;
	s26 =	sand.u32 $0x1F80, s4;
	v6 =	vand.u32 $0x7F, v8;
	s3 =	simm.s32 @!p1 $0x0;
	v8 =	vand.u32 $0xFFFFFF00, v15;
	v12 =	vld.idx.msk [tilespmem:v12+s24+$0x0], $0xffff  }
0xec: {  	p2 =	slt.u32 s10, $0x1FC;
	s19 =	sor.u32 $0x30, s18;
	v15 =	vor.u32 v4, v7;
	s3 =	sshll.u32 s3, $0x6;
	v2 =	vld.idx.msk [tilespmem:v3+s24+$0x0], $0xffff;
	v16 =	vor.u32 v6, v8;
	[tilespmem:s16+$0x0] =	vst v5  }
0xed: {  	s16 =	sor.u32 s19, s26;
	s28 =	sadd.s32 s3, s17;
	s3 =	sor.u32 $0x10, s18;
	v17 =	vor.u32 $0x80, v16;
	v18 =	vld.idx.msk [tilespmem:v1+s24+$0x0], $0xffff;
	v1 =	vor.u32 $0x80, v15;
	[tilespmem:s5+$0x0] =	vst v9  }
0xee: {  	s30 =	sor.u32 $0x20, s18;
	s5 =	sadd.s32 $0x30, s28;
	v6 =	vld [tilespmem:s16+$0x0];
	[tilespmem:s11+$0x12000] =	vst v10;
	s11 =	sor.u32 s3, s26  }
0xef: {  	s16 =	sor.u32 s30, s26;
	s5 =	sor.u32 $0x80, s5;
	s26 =	sadd.s32 $0x10, s28;
	v7 =	vld.idx.msk [tilespmem:v13+s24+$0x0], $0xffff  }
.Ltmp4:
0xf0: {  	v4 =	vld [tilespmem:s11+$0x0];
	s11 =	sor.u32 $0x80, s28;
	s28 =	sadd.s32 $0x20, s28;
	[tilespmem:s5+$0x12000] =	vst v11;
	(pc) =	sbr.rel @p2 .LBB2_7-.Ltmp4, $4  }
0xf1: {  	s17 =	sadd.s32 $0x80, s17;
	v5 =	vshll.u32 v14, $0x1;
	v11 =	vor.u32 $0x80, v13;
	v8 =	vld [tilespmem:s16+$0x0];
	[tilespmem:s11+$0x12000] =	vst v12;
	s16 =	sor.u32 $0x80, s26;
	s11 =	sor.u32 $0x80, s28  }
0xf2: {  	v9 =	vand.u32 $0x7F, v14;
	v10 =	vand.u32 $0xFFFFFF00, v5;
	s5 =	smov.u32 s6;
	s6 =	smov.u32 s30;
	s26 =	sand.u32 $0x3F00, s17;
	v12 =	vor.u32 $0x80, v3;
	v5 =	vld.idx.msk [tilespmem:v15+s24+$0x0], $0xffff  }
0xf3: {  	s12 =	sadd.s32 $0x40, s12;
	v3 =	vor.u32 v9, v10;
	s28 =	sadd.s32 $0x12000, s26;
	v9 =	vld.idx.msk [tilespmem:v16+s24+$0x0], $0xffff;
	[tilespmem:s16+$0x12000] =	vst v18  }
0xf4: {  	v13 =	vshll.u32 v6, $0x1;
	s30 =	sor.u32 s14, s28;
	s16 =	sor.u32 s15, s28;
	s13 =	sor.u32 s13, s28;
	v10 =	vld.idx.msk [tilespmem:v0+s24+$0x0], $0xffff;
	v0 =	vmov v17  }
0xf5: {  	v6 =	vand.u32 $0x7F, v6  }
0xf6: {  	v13 =	vand.u32 $0xFFFFFF00, v13;
	v14 =	vshll.u32 v4, $0x1;
	v4 =	vand.u32 $0x7F, v4  }
0xf7: {  	v6 =	vor.u32 v6, v13;
	v13 =	vand.u32 $0xFFFFFF00, v14;
	v14 =	vshll.u32 v8, $0x1  }
0xf8: {  	[tilespmem:s13+$0x0] =	vst v7;
	p1 =	por !p1, !p1;
	s4 =	simm.s32 $0x1;
	v7 =	vand.u32 $0x7F, v8;
	v8 =	vand.u32 $0xFFFFFF00, v14;
	v4 =	vor.u32 v4, v13  }
0xf9: {  	[tilespmem:s30+$0x0] =	vst v2;
	v2 =	vld.idx.msk [tilespmem:v11+s24+$0x0], $0xffff;
	s4 =	simm.s32 @!p1 $0x0;
	v7 =	vor.u32 v7, v8  }
0xfa: {  	v11 =	vld.idx.msk [tilespmem:v3+s24+$0x0], $0xffff;
	s4 =	sshll.u32 s4, $0x6  }
0xfb: {  	s5 =	sor.u32 s5, s28;
	s10 =	sadd.s32 $0x80, s17;
	[tilespmem:s16+$0x0] =	vst v5;
	v8 =	vld.idx.msk [tilespmem:v12+s24+$0x0], $0xffff;
	s4 =	sadd.s32 s4, s17  }
0xfc: {  	s13 =	sand.u32 $0x3F00, s10;
	v3 =	vor.u32 $0x80, v3;
	[tilespmem:s5+$0x0] =	vst v9;
	s12 =	sadd.s32 $0x30, s4;
	v5 =	vld.idx.msk [tilespmem:v6+s24+$0x0], $0xffff  }
0xfd: {  	s14 =	sadd.s32 $0x12000, s13;
	[tilespmem:s11+$0x12000] =	vst v10;
	s5 =	sor.u32 $0x80, s12;
	v6 =	vor.u32 $0x80, v6;
	v9 =	vld.idx.msk [tilespmem:v4+s24+$0x0], $0xffff  }
0xfe: {  	s15 =	sor.u32 s18, s14;
	[tilespmem:s5+$0x12000] =	vst v2;
	v4 =	vor.u32 $0x80, v4;
	v2 =	vld.idx.msk [tilespmem:v7+s24+$0x0], $0xffff  }
0xff: {  	v1 =	vld.idx.msk [tilespmem:v1+s24+$0x0], $0xffff;
	s12 =	sor.u32 $0x80, s4;
	[tilespmem:s15+$0x0] =	vst v11;
	v7 =	vor.u32 $0x80, v7  }
0x100: {  	s11 =	sor.u32 s19, s14;
	v0 =	vld.idx.msk [tilespmem:v0+s24+$0x0], $0xffff;
	[tilespmem:s12+$0x12000] =	vst v8  }
0x101: {  	p1 =	por !p1, !p1;
	s3 =	sor.u32 s3, s14;
	v3 =	vld.idx.msk [tilespmem:v3+s24+$0x0], $0xffff;
	[tilespmem:s11+$0x0] =	vst v5;
	s11 =	simm.s32 $0x1  }
0x102: {  	s16 =	sadd.s32 $0x10, s4;
	s5 =	sor.u32 s6, s14;
	v5 =	vld.idx.msk [tilespmem:v6+s24+$0x0], $0xffff;
	s11 =	simm.s32 @!p1 $0x0;
	[tilespmem:s3+$0x0] =	vst v9  }
0x103: {  	s18 =	sadd.s32 $0x20, s4;
	s19 =	sor.u32 $0x80, s16;
	s17 =	sshll.u32 s11, $0x6;
	v4 =	vld.idx.msk [tilespmem:v4+s24+$0x0], $0xffff;
	[tilespmem:s5+$0x0] =	vst v2  }
0x104: {  	[tilespmem:s19+$0x12000] =	vst v1;
	s3 =	sor.u32 $0x80, s18;
	s6 =	sadd.s32 s17, s10;
	v1 =	vld.idx.msk [tilespmem:v7+s24+$0x0], $0xffff  }
0x105: {  	[tilespmem:s3+$0x12000] =	vst v0;
	s26 =	sadd.s32 $0x30, s6;
	s10 =	sor.u32 $0x80, s6  }
0x106: {  	s11 =	sadd.s32 $0x10, s6;
	s5 =	sor.u32 $0x80, s26;
	[tilespmem:s10+$0x12000] =	vst v3  }
0x107: {  	s12 =	sadd.s32 $0x20, s6;
	s13 =	sor.u32 $0x80, s11;
	[tilespmem:s5+$0x12000] =	vst v5  }
0x108: {  	s3 =	sor.u32 $0x80, s12;
	[tilespmem:s13+$0x12000] =	vst v4  }
0x109: {  	[tilespmem:s3+$0x12000] =	vst v1  }
0x10a: {  	s3 =	rddreg [dreg:$0xd]  }
0x10b: {  	s14 =	simm.s32 $0x12000;
	s3 =	sadd.s32 s9, s3  }
0x10c: {  	[hbm4b:s3+s20] =	stream.strided.scatter [tilespmem:s14], [sflag:$0x5], $0x4000, s21, s20, $0x38;
	[tilespmem:$0x1A000] =	vst v63  }
0x10d: {  	s4 =	simm.s32 @!p0 $0x100;
	s3 =	rddreg [dreg:$0xe]  }
0x10e: {  	s6 =	simm.s32 @!p0 $0xA000;
	s5 =	simm.s32 @!p0 $0x400;
	s3 =	sadd.s32 @!p0 s8, s3  }
0x10f: {  	[tilespmem:s6], [sflag:$0x3] =	stream.strided.gather @!p0 [hbm4b:s3+s4], $0x4000, s5, s4, $0x38;
	[tilespmem:$0x1A000] =	vst v63  }
0x110: {  	_ =	swait.ge [sflag:s0], $0x4000  }
0x111: {  	[sflag:s0] =	ssyncset.done $0x0  }
0x112: {  	[sflag:s0] =	ssyncadd.s32 $0xFFFFC000  }
0x113: {  	_ =	swait.ge [sflag:s2], $0x4000  }
0x114: {  	s4 =	simm.s32 $0x0;
	[sflag:s2] =	ssyncset.done $0x0  }
0x115: {  	s6 =	sand.u32 $0x40, s4;
	[sflag:s2] =	ssyncadd.s32 $0xFFFFC000  }
0x116: {  	s15 =	sand.u32 $0x1F80, s4;
	s10 =	sor.u32 $0x30, s6;
	v0 =	vld [tilespmem:s4+$0x0]  }
0x117: {  	s16 =	sor.u32 s10, s15  }
0x118: {  	s11 =	sor.u32 $0x10, s6;
	v1 =	vld [tilespmem:s16+$0x0]  }
0x119: {  	s17 =	sor.u32 s11, s15  }
0x11a: {  	s3 =	sor.u32 $0x20, s6;
	v2 =	vld [tilespmem:s17+$0x0]  }
0x11b: {  	s5 =	sor.u32 s3, s15;
	v3 =	vshll.u32 v0, $0x1  }
0x11c: {  	v4 =	vld [tilespmem:s5+$0x0];
	v0 =	vand.u32 $0x7F, v0;
	v3 =	vand.u32 $0xFFFFFF00, v3  }
0x11d: {  	s18 =	simm.s32 $0x40;
	v0 =	vor.u32 v0, v3;
	v3 =	vshll.u32 v1, $0x1  }
0x11e: {  	s13 =	sand.u32 $0x40, s18;
	v1 =	vand.u32 $0x7F, v1;
	v3 =	vand.u32 $0xFFFFFF00, v3  }
0x11f: {  	s19 =	sand.u32 $0x1F80, s18;
	s15 =	sor.u32 $0x10, s13;
	v5 =	vshll.u32 v2, $0x1;
	v1 =	vor.u32 v1, v3;
	v3 =	vld [tilespmem:s18+$0x0]  }
0x120: {  	s14 =	sor.u32 $0x30, s13;
	s26 =	sor.u32 s15, s19;
	v2 =	vand.u32 $0x7F, v2;
	v5 =	vand.u32 $0xFFFFFF00, v5  }
0x121: {  	s5 =	sor.u32 s14, s19;
	v8 =	vld [tilespmem:s26+$0x0];
	v6 =	vshll.u32 v4, $0x1;
	v2 =	vor.u32 v2, v5  }
0x122: {  	v4 =	vand.u32 $0x7F, v4;
	v6 =	vand.u32 $0xFFFFFF00, v6;
	v5 =	vld [tilespmem:s5+$0x0]  }
0x123: {  	v4 =	vor.u32 v4, v6;
	s5 =	sor.u32 $0x20, s13;
	v7 =	vld.idx.msk [tilespmem:v0+s25+$0x0], $0xffff  }
0x124: {  	s12 =	sor.u32 s5, s19;
	v0 =	vor.u32 $0x80, v0;
	v6 =	vld.idx.msk [tilespmem:v1+s25+$0x0], $0xffff;
	v9 =	vshll.u32 v3, $0x1  }
0x125: {  	s4 =	sand.u32 $0x3F00, s4;
	v10 =	vld [tilespmem:s12+$0x0];
	v1 =	vor.u32 $0x80, v1;
	v3 =	vand.u32 $0x7F, v3;
	v9 =	vand.u32 $0xFFFFFF00, v9  }
0x126: {  	s12 =	sadd.s32 $0x16000, s4;
	s4 =	simm.s32 $0x80;
	v11 =	vld.idx.msk [tilespmem:v2+s25+$0x0], $0xffff;
	v3 =	vor.u32 v3, v9  }
0x127: {  	s6 =	sor.u32 s6, s12;
	v13 =	vld [tilespmem:s4+$0x0];
	v9 =	vor.u32 $0x80, v2;
	v2 =	vshll.u32 v5, $0x1  }
0x128: {  	s10 =	sor.u32 s10, s12;
	v12 =	vld.idx.msk [tilespmem:v4+s25+$0x0], $0xffff;
	v5 =	vand.u32 $0x7F, v5;
	v2 =	vand.u32 $0xFFFFFF00, v2;
	[tilespmem:s6+$0x0] =	vst v7  }
0x129: {  	v14 =	vor.u32 v5, v2;
	v15 =	vld.idx.msk [tilespmem:v0+s25+$0x0], $0xffff;
	[tilespmem:s10+$0x0] =	vst v6  }
0x12a: {  	p1 =	por $0x0, $0x0;
	s16 =	sor.u32 s11, s12;
	s18 =	sand.u32 $0x40, s4;
	v5 =	vld.idx.msk [tilespmem:v1+s25+$0x0], $0xffff;
	v1 =	vshll.u32 v8, $0x1  }
0x12b: {  	s11 =	sand.u32 $0x1F80, s4;
	s19 =	sor.u32 $0x30, s18;
	[tilespmem:s16+$0x0] =	vst v11;
	s10 =	simm.s32 $0x1;
	v6 =	vand.u32 $0x7F, v8;
	v0 =	vand.u32 $0xFFFFFF00, v1;
	v1 =	vshll.u32 v10, $0x1;
	v2 =	vld.idx.msk [tilespmem:v3+s25+$0x0], $0xffff  }
0x12c: {  	s12 =	sor.u32 s3, s12;
	s26 =	sor.u32 s19, s11;
	v7 =	vand.u32 $0x7F, v10;
	s10 =	simm.s32 @!p1 $0x0;
	v16 =	vld.idx.msk [tilespmem:v9+s25+$0x0], $0xffff;
	v1 =	vand.u32 $0xFFFFFF00, v1;
	v10 =	vor.u32 v6, v0  }
0x12d: {  	s3 =	sor.u32 $0x10, s18;
	s6 =	sor.u32 $0x20, s18;
	s17 =	sshll.u32 s10, $0x6;
	v6 =	vld [tilespmem:s26+$0x0];
	v9 =	vor.u32 v7, v1  }
0x12e: {  	v17 =	vor.u32 $0x80, v4;
	s10 =	simm.s32 $0x8;
	s16 =	sadd.s32 $0x0, s17;
	s26 =	sor.u32 s3, s11;
	v7 =	vld.idx.msk [tilespmem:v14+s25+$0x0], $0xffff  }
0x12f: {  	[tilespmem:s12+$0x0] =	vst v12;
	s11 =	sor.u32 s6, s11;
	s17 =	sadd.s32 $0x30, s16;
	v4 =	vld [tilespmem:s26+$0x0];
	s12 =	sor.u32 $0x80, s16  }
0x130: {  	v12 =	vshll.u32 v13, $0x1;
	s26 =	sadd.s32 $0x10, s16;
	v8 =	vld [tilespmem:s11+$0x0];
	s28 =	sor.u32 $0x80, s17;
	s17 =	simm.s32 $0x80  }
0x131: {  	v11 =	vor.u32 $0x80, v14;
	v1 =	vor.u32 $0x80, v10;
	s11 =	sadd.s32 $0x20, s16;
	v0 =	vor.u32 $0x80, v9;
	s16 =	sor.u32 $0x80, s26;
	[tilespmem:s28+$0x16000] =	vst v5;
	s26 =	sand.u32 $0x3F00, s17;
	v5 =	vld.idx.msk [tilespmem:v10+s25+$0x0], $0xffff  }
0x132: {  	[tilespmem:s12+$0x16000] =	vst v15;
	s11 =	sor.u32 $0x80, s11;
	s12 =	simm.s32 $0xC0;
	s28 =	sadd.s32 $0x16000, s26;
	v10 =	vand.u32 $0x7F, v13;
	v13 =	vand.u32 $0xFFFFFF00, v12;
	v12 =	vor.u32 $0x80, v3;
	v9 =	vld.idx.msk [tilespmem:v9+s25+$0x0], $0xffff  }
0x133: {  	[tilespmem:s16+$0x16000] =	vst v16;
	s30 =	sor.u32 s13, s28;
	s16 =	sor.u32 s15, s28;
	s13 =	sor.u32 s14, s28;
	v3 =	vor.u32 v10, v13;
	v13 =	vshll.u32 v6, $0x1;
	v10 =	vld.idx.msk [tilespmem:v17+s25+$0x0], $0xffff  }
.LBB2_9:
0x134: {  	s5 =	sor.u32 s5, s28;
	s14 =	smov.u32 s18  }
0x135: {  	v14 =	vld [tilespmem:s12+$0x0];
	v15 =	vshll.u32 v4, $0x1;
	v6 =	vand.u32 $0x7F, v6;
	v13 =	vand.u32 $0xFFFFFF00, v13;
	[tilespmem:s13+$0x0] =	vst v7;
	s13 =	smov.u32 s19;
	s4 =	sadd.s32 $0x40, s4;
	p1 =	por !p1, !p1  }
0x136: {  	s15 =	smov.u32 s3;
	s3 =	simm.s32 $0x1;
	s10 =	sadd.s32 $0x4, s10;
	v7 =	vand.u32 $0xFFFFFF00, v15;
	v15 =	vshll.u32 v8, $0x1;
	v13 =	vor.u32 v6, v13;
	[tilespmem:s30+$0x0] =	vst v2;
	v11 =	vld.idx.msk [tilespmem:v11+s25+$0x0], $0xffff  }
0x137: {  	v4 =	vand.u32 $0x7F, v4;
	s18 =	sand.u32 $0x40, s4;
	s26 =	sand.u32 $0x1F80, s4;
	v6 =	vand.u32 $0x7F, v8;
	s3 =	simm.s32 @!p1 $0x0;
	v8 =	vand.u32 $0xFFFFFF00, v15;
	v12 =	vld.idx.msk [tilespmem:v12+s25+$0x0], $0xffff  }
0x138: {  	p2 =	slt.u32 s10, $0x1FC;
	s19 =	sor.u32 $0x30, s18;
	v15 =	vor.u32 v4, v7;
	s3 =	sshll.u32 s3, $0x6;
	v2 =	vld.idx.msk [tilespmem:v3+s25+$0x0], $0xffff;
	v16 =	vor.u32 v6, v8;
	[tilespmem:s16+$0x0] =	vst v5  }
0x139: {  	s16 =	sor.u32 s19, s26;
	s28 =	sadd.s32 s3, s17;
	s3 =	sor.u32 $0x10, s18;
	v17 =	vor.u32 $0x80, v16;
	v18 =	vld.idx.msk [tilespmem:v1+s25+$0x0], $0xffff;
	v1 =	vor.u32 $0x80, v15;
	[tilespmem:s5+$0x0] =	vst v9  }
0x13a: {  	s30 =	sor.u32 $0x20, s18;
	s5 =	sadd.s32 $0x30, s28;
	v6 =	vld [tilespmem:s16+$0x0];
	[tilespmem:s11+$0x16000] =	vst v10;
	s11 =	sor.u32 s3, s26  }
0x13b: {  	s16 =	sor.u32 s30, s26;
	s5 =	sor.u32 $0x80, s5;
	s26 =	sadd.s32 $0x10, s28;
	v7 =	vld.idx.msk [tilespmem:v13+s25+$0x0], $0xffff  }
.Ltmp5:
0x13c: {  	v4 =	vld [tilespmem:s11+$0x0];
	s11 =	sor.u32 $0x80, s28;
	s28 =	sadd.s32 $0x20, s28;
	[tilespmem:s5+$0x16000] =	vst v11;
	(pc) =	sbr.rel @p2 .LBB2_9-.Ltmp5, $4  }
0x13d: {  	s17 =	sadd.s32 $0x80, s17;
	v5 =	vshll.u32 v14, $0x1;
	v11 =	vor.u32 $0x80, v13;
	v8 =	vld [tilespmem:s16+$0x0];
	[tilespmem:s11+$0x16000] =	vst v12;
	s16 =	sor.u32 $0x80, s26;
	s11 =	sor.u32 $0x80, s28  }
0x13e: {  	v9 =	vand.u32 $0x7F, v14;
	v10 =	vand.u32 $0xFFFFFF00, v5;
	s5 =	smov.u32 s6;
	s6 =	smov.u32 s30;
	s26 =	sand.u32 $0x3F00, s17;
	v12 =	vor.u32 $0x80, v3;
	v5 =	vld.idx.msk [tilespmem:v15+s25+$0x0], $0xffff  }
0x13f: {  	s12 =	sadd.s32 $0x40, s12;
	v3 =	vor.u32 v9, v10;
	s28 =	sadd.s32 $0x16000, s26;
	v9 =	vld.idx.msk [tilespmem:v16+s25+$0x0], $0xffff;
	[tilespmem:s16+$0x16000] =	vst v18  }
0x140: {  	v13 =	vshll.u32 v6, $0x1;
	s30 =	sor.u32 s14, s28;
	s16 =	sor.u32 s15, s28;
	s13 =	sor.u32 s13, s28;
	v10 =	vld.idx.msk [tilespmem:v0+s25+$0x0], $0xffff;
	v0 =	vmov v17  }
0x141: {  	v6 =	vand.u32 $0x7F, v6  }
0x142: {  	v13 =	vand.u32 $0xFFFFFF00, v13;
	v14 =	vshll.u32 v4, $0x1;
	v53 =	vand.u32 $0x7F, v4  }
0x143: {  	v6 =	vor.u32 v6, v13;
	v51 =	vand.u32 $0xFFFFFF00, v14;
	v52 =	vshll.u32 v8, $0x1  }
0x144: {  	[tilespmem:s13+$0x0] =	vst v7;
	p1 =	por !p1, !p1;
	s4 =	simm.s32 $0x1;
	v54 =	vand.u32 $0x7F, v8;
	v55 =	vand.u32 $0xFFFFFF00, v52;
	v4 =	vor.u32 v53, v51  }
0x145: {  	[tilespmem:s30+$0x0] =	vst v2;
	v56 =	vld.idx.msk [tilespmem:v11+s25+$0x0], $0xffff;
	s4 =	simm.s32 @!p1 $0x0;
	v7 =	vor.u32 v54, v55  }
0x146: {  	v57 =	vld.idx.msk [tilespmem:v12+s25+$0x0], $0xffff;
	s4 =	sshll.u32 s4, $0x6  }
0x147: {  	s5 =	sor.u32 s5, s28;
	v59 =	vld.idx.msk [tilespmem:v3+s25+$0x0], $0xffff;
	[tilespmem:s16+$0x0] =	vst v5;
	s4 =	sadd.s32 s4, s17  }
0x148: {  	s10 =	sadd.s32 $0x80, s17;
	v60 =	vor.u32 $0x80, v3;
	[tilespmem:s5+$0x0] =	vst v9;
	s16 =	sadd.s32 $0x30, s4;
	v58 =	vld.idx.msk [tilespmem:v6+s25+$0x0], $0xffff  }
0x149: {  	s17 =	sand.u32 $0x3F00, s10;
	[tilespmem:s11+$0x16000] =	vst v10;
	s5 =	sor.u32 $0x80, s16;
	v6 =	vor.u32 $0x80, v6;
	v61 =	vld.idx.msk [tilespmem:v4+s25+$0x0], $0xffff  }
0x14a: {  	s12 =	sor.u32 $0x80, s4;
	s26 =	sadd.s32 $0x16000, s17;
	[tilespmem:s5+$0x16000] =	vst v56;
	v4 =	vor.u32 $0x80, v4;
	v62 =	vld.idx.msk [tilespmem:v7+s25+$0x0], $0xffff  }
0x14b: {  	v1 =	vld.idx.msk [tilespmem:v1+s25+$0x0], $0xffff;
	s28 =	sor.u32 s18, s26;
	[tilespmem:s12+$0x16000] =	vst v57;
	v7 =	vor.u32 $0x80, v7  }
0x14c: {  	v0 =	vld.idx.msk [tilespmem:v0+s25+$0x0], $0xffff;
	s11 =	sor.u32 s19, s26;
	[tilespmem:s28+$0x0] =	vst v59  }
0x14d: {  	p1 =	por !p1, !p1;
	s3 =	sor.u32 s3, s26;
	v3 =	vld.idx.msk [tilespmem:v60+s25+$0x0], $0xffff;
	[tilespmem:s11+$0x0] =	vst v58;
	s11 =	simm.s32 $0x1  }
0x14e: {  	s30 =	sadd.s32 $0x10, s4;
	s5 =	sor.u32 s6, s26;
	v5 =	vld.idx.msk [tilespmem:v6+s25+$0x0], $0xffff;
	s11 =	simm.s32 @!p1 $0x0;
	[tilespmem:s3+$0x0] =	vst v61  }
0x14f: {  	s14 =	sadd.s32 $0x20, s4;
	s15 =	sor.u32 $0x80, s30;
	s13 =	sshll.u32 s11, $0x6;
	v4 =	vld.idx.msk [tilespmem:v4+s25+$0x0], $0xffff;
	[tilespmem:s5+$0x0] =	vst v62  }
0x150: {  	[tilespmem:s15+$0x16000] =	vst v1;
	s3 =	sor.u32 $0x80, s14;
	s6 =	sadd.s32 s13, s10;
	v63 =	vld.idx.msk [tilespmem:v7+s25+$0x0], $0xffff  }
0x151: {  	[tilespmem:s3+$0x16000] =	vst v0;
	s16 =	sadd.s32 $0x30, s6;
	s18 =	sor.u32 $0x80, s6  }
0x152: {  	s19 =	sadd.s32 $0x10, s6;
	s17 =	sor.u32 $0x80, s16;
	[tilespmem:s18+$0x16000] =	vst v3  }
0x153: {  	s26 =	sadd.s32 $0x20, s6;
	s28 =	sor.u32 $0x80, s19;
	[tilespmem:s17+$0x16000] =	vst v5  }
.Ltmp6:
0x154: {  	s3 =	sor.u32 $0x80, s26;
	[tilespmem:s28+$0x16000] =	vst v4;
	(pc) =	sbr.rel @p0 .LBB2_12-.Ltmp6, $4  }
0x155: {  	[tilespmem:s3+$0x16000] =	vst v63  }
0x156: {  	s3 =	rddreg [dreg:$0xf]  }
0x157: {  	s30 =	simm.s32 $0x16000;
	s3 =	sadd.s32 s9, s3  }
0x158: {  	[hbm4b:s3+s20] =	stream.strided.scatter [tilespmem:s30], [sflag:$0x6], $0x4000, s21, s20, $0x38;
	[tilespmem:$0x1A000] =	vst v63  }
.Ltmp7:
0x159: {  	(pc) =	sbr.rel .LBB2_2-.Ltmp7, $4  }
0x15a: {  	_ = 	snop  }
0x15b: {  	s3 =	rddreg [dreg:$0x10]  }
0x15c: {  	s7 =	sadd.s32 $0x1, s7;
	s3 =	sadd.s32 s8, s3  }
0x15d: {  	[tilespmem:s25], [sflag:$0x4] =	stream.strided.gather [hbm4b:s3+s20], $0x4000, s21, s20, $0x38;
	[tilespmem:$0x1A000] =	vst v63  }
.LBB2_13:
0x15e: {  	_ =	sfence.sel $0x180000  }
0x15f: {  	[bflag:$0x0] =	sbarrier.arrive $0xFFFF  }
0x160: {  	_ =	strace $0x90000047  }
0x161: {  	s0 =	stileid.u32;
	[bflag:$0x2] =	sbarrier.arrive $0xFFFF  }
0x162: {  	p0 =	sne.s32 s0, $0x0;
	s0 =	rddreg [dreg:$0x3]  }
0x163: {  	s0 =	sadd.s32 @!p0 $0x100000, s0  }
0x164: {  	[sflag:s0] =	ssyncadd.tile.s32 @!p0 $0x1;
	_ =	shalt  }
.Lfunc_end2:
_tile_overlayer_lowered:
.L_overlay_start_2:
0x165: {  	(tag) =	ssettag $0x2  }
0x166: {  	s0 =	rddreg [dreg:$0x0];
	s2 =	stileid.u32  }
0x167: {  	s1 =	rddreg [dreg:$0x1];
	p0 =	sne.s32 s2, $0x0  }
0x168: {  	s3 =	rddreg [dreg:$0x2];
	[bflag:$0x3] =	sbarrier.arrive $0xFFFF;
	s2 =	simm.s32 @!p0 $0x1C07  }
0x169: {  	[timem:s3], [sflag:s2] =	dma.local @!p0 [hbm:s0], s1  }
0x16a: {  	s0 =	simm.s32 @!p0 $0x7  }
0x16b: {  	_ =	swait.ge @!p0 [sflag:s0], s1  }
0x16c: {  	s1 =	ssub.s32 @!p0 $0x0, s1;
	[sflag:s0] =	ssyncset.done @!p0 $0x0  }
0x16d: {  	[sflag:s0] =	ssyncadd.s32 @!p0 s1  }
0x16e: {  	[bflag:$0x3] =	sbarrier.arrive $0xFFFF  }
0x16f: {  	_ =	shalt  }

</sc_bundles>
